<compile_context>
chip_gen: v7x
topology: tpu7x:2x2x1
jax: 0.10.2.dev20260603
libtpu: 0.0.44.dev20260713+nightly
codegen_flags: <defaults>
</compile_context>

<pallas_src>
import functools

import jax
import jax.numpy as jnp
from jax import lax
from jax.experimental import pallas as pl
from jax.experimental.pallas import tpu as pltpu
from jax.experimental.pallas import tpu_sc as plsc

MAX_LEN = 8192
D = 1024
B = 4 * 8192
NC, NS = 2, 16
NW = NC * NS
BPW = B // NW
CH = 32
NCHUNK = BPW // CH
NB = 3
LOOKAHEAD = 2

_mesh = plsc.VectorSubcoreMesh(core_axis_name="c", subcore_axis_name="s")


@functools.partial(
    pl.kernel,
    mesh=_mesh,
    out_type=jax.ShapeDtypeStruct((B, D), jnp.float32),
    scratch_types=[
        pltpu.VMEM((BPW,), jnp.int32),
        pltpu.VMEM((NB, CH, D), jnp.float32),
    ]
    + [pltpu.SemaphoreType.DMA] * (2 * NB),
)
def _gather_kernel(pos_hbm, table_hbm, out_hbm, idx_v, buf_v, *sems):
    gsems, osems = sems[:NB], sems[NB:]
    wid = lax.axis_index("s") * NC + lax.axis_index("c")
    base = wid * BPW
    pltpu.sync_copy(pos_hbm.at[pl.ds(base, BPW)], idx_v)

    def clip_body(k, carry):
        sl = pl.ds(k * 16, 16)
        idx_v[sl] = jnp.minimum(jnp.maximum(idx_v[sl], 0), MAX_LEN - 1)
        return carry

    lax.fori_loop(0, BPW // 16, clip_body, 0)

    def gather_start(g, b):
        pltpu.async_copy(
            table_hbm.at[idx_v.at[pl.ds(g * CH, CH)]], buf_v.at[b], gsems[b])

    def gather_wait(g, b):
        pltpu.make_async_copy(
            table_hbm.at[idx_v.at[pl.ds(g * CH, CH)]], buf_v.at[b],
            gsems[b]).wait()

    def out_start(g, b):
        pltpu.async_copy(
            buf_v.at[b], out_hbm.at[pl.ds(base + g * CH, CH)], osems[b])

    def out_wait(g, b):
        pltpu.make_async_copy(
            buf_v.at[b], out_hbm.at[pl.ds(base + g * CH, CH)], osems[b]).wait()

    def step(g, b, head, tail):
        gather_wait(g, b)
        out_start(g, b)
        if head:
            bn = (b + LOOKAHEAD) % NB
            if tail:
                out_wait(g + LOOKAHEAD - NB, bn)
            gather_start(g + LOOKAHEAD, bn)

    for g in range(LOOKAHEAD):
        gather_start(g, g % NB)
    for g in range(NB - LOOKAHEAD):
        step(g, g % NB, head=True, tail=False)

    def body(it, carry):
        i = (NB - LOOKAHEAD) + it * NB
        for j in range(NB):
            step(i + j, (NB - LOOKAHEAD + j) % NB, head=True, tail=True)
        return carry

    trips = (NCHUNK - NB) // NB
    lax.fori_loop(0, trips, body, 0)

    for g in range((NB - LOOKAHEAD) + trips * NB, NCHUNK - LOOKAHEAD):
        step(g, g % NB, head=True, tail=(g + LOOKAHEAD >= NB))
    for g in range(NCHUNK - LOOKAHEAD, NCHUNK):
        step(g, g % NB, head=False, tail=False)
    for g in range(NCHUNK - NB, NCHUNK):
        out_wait(g, g % NB)


def kernel(positions, table):
    out = _gather_kernel(positions.reshape(B), table)
    return out.reshape(positions.shape[0], positions.shape[1], D)

# --- scband reference (transcript-rebuilt; emitter-appended) ---
"""Pipeline reference for scband-zeta-embedding-25108378812943 (READ-ONLY COPY).

The authoritative reference and input builder live on the scoring server;
editing this copy changes nothing except your own understanding.
"""

import jax, jax.numpy as jnp
import numpy as np
import math

MAX_LEN = 8192
D_MODEL = 1024


def _zeta_zeros(n):
    precise = np.array([14.134725, 21.02204, 25.010858, 30.424876, 32.935062,
                        37.586178, 40.918719, 43.327073, 48.00515, 49.773832],
                       dtype=np.float64)
    if n <= 10:
        return precise[:n].astype(np.float32)
    extra = n - 10
    k = max(extra + 20, int(2 * math.sqrt(extra)) + 20)
    rng = np.random.default_rng(0)
    A = rng.standard_normal((k, k))
    H = (A + A.T) / 2.0
    eigs = np.linalg.eigvalsh(H)
    sorted_eigs = np.sort(eigs)
    spacings = sorted_eigs[1:] - sorted_eigs[:-1]
    if len(spacings) < extra:
        sel = spacings
    else:
        cs = (len(spacings) - extra) // 2
        sel = spacings[cs:cs + extra]
    sel = np.abs(sel)
    sel = sel / sel.mean() * 2.5
    if len(sel) < extra:
        sel = np.concatenate([sel, np.full(extra - len(sel), sel.mean())])
    new_zeros = np.cumsum(sel[:extra]) + precise[-1]
    return np.concatenate([precise, new_zeros])[:n].astype(np.float32)


def _build_table(scale=1.0):
    num_zeros = D_MODEL // 2
    zeros = _zeta_zeros(num_zeros).astype(np.float64)
    position = np.arange(MAX_LEN, dtype=np.float64)[:, None]
    freqs = zeros[None, :] / (2.0 * np.pi)
    pe = np.zeros((MAX_LEN, D_MODEL), dtype=np.float32)
    sin_values = np.sin(position * freqs)
    cos_values = np.cos(position * freqs)
    pe[:, 0::2] = sin_values[:, :D_MODEL // 2]
    pe[:, 1::2] = cos_values[:, :D_MODEL // 2]
    return jnp.asarray(pe * scale, dtype=jnp.float32)


def setup_inputs(seed: int = 0) -> dict:
    key = jax.random.key(seed)
    positions = jax.random.randint(key, (4, 8192), 0, MAX_LEN, dtype=jnp.int32)
    table = _build_table(scale=1.0)
    return {"positions": positions, "table": table}


def reference(positions, table):
    # ZetaEmbedding.forward: clamp out-of-range positions, then fixed-table lookup
    pos = jnp.clip(positions, 0, MAX_LEN - 1)
    return jnp.take(table, pos, axis=0)

if __name__ == "__main__":
    import jax
    _d = setup_inputs()
    print(jax.jit(kernel)(*tuple(_d.values())))

</pallas_src>

<mosaic_0001>
#map = affine_map<(d0, d1) -> (0)>
#map1 = affine_map<(d0, d1) -> (0, 0)>
module attributes {stable_mosaic.version = 14 : i64} {
  func.func @_gather_kernel(%arg0: i32, %arg1: i32, %arg2: memref<32768xi32, #tpu.memory_space<hbm>>, %arg3: memref<8192x1024xf32, #tpu.memory_space<hbm>>, %arg4: memref<32768x1024xf32, #tpu.memory_space<hbm>>, %arg5: memref<1024xi32, #tpu.memory_space<vmem>>, %arg6: memref<3x32x1024xf32, #tpu.memory_space<vmem>>, %arg7: memref<!tpu.dma_semaphore, #tpu.memory_space<semaphore_mem>>, %arg8: memref<!tpu.dma_semaphore, #tpu.memory_space<semaphore_mem>>, %arg9: memref<!tpu.dma_semaphore, #tpu.memory_space<semaphore_mem>>, %arg10: memref<!tpu.dma_semaphore, #tpu.memory_space<semaphore_mem>>, %arg11: memref<!tpu.dma_semaphore, #tpu.memory_space<semaphore_mem>>, %arg12: memref<!tpu.dma_semaphore, #tpu.memory_space<semaphore_mem>>) attributes {dimension_semantics = [#tpu.dimension_semantics<core_parallel>, #tpu.dimension_semantics<subcore_parallel>], iteration_bounds = array<i64: 2, 16>, scalar_prefetch = 0 : i64, scratch_operands = 8 : i64, tpu.core_type = #tpu.core_type<sc_vector_subcore>, window_params = [{transform_indices = #map}, {transform_indices = #map1}, {transform_indices = #map1}]} {
    %mul3A = arith.constant 2 : i32
    %mul3A_0 = arith.muli %arg1, %mul3A : i32
    %add3A = arith.addi %mul3A_0, %arg0 : i32
    %mul3A_1 = arith.constant 1024 : i32
    %mul3A_2 = arith.muli %add3A, %mul3A_1 : i32
    "tpu.region"() ({
      %run_scoped3A = tpu.sem_alloc : memref<!tpu.dma_semaphore, #tpu.memory_space<semaphore_mem>>
      %dma_start3A_262 = tpu.memref_slice %arg2[%mul3A_2] : memref<32768xi32, #tpu.memory_space<hbm>> -> memref<1024xi32, #tpu.memory_space<hbm>>
      %dma_start3A_263 = tpu.memref_slice %arg2[%mul3A_2] : memref<32768xi32, #tpu.memory_space<hbm>> -> memref<1024xi32, #tpu.memory_space<hbm>>
      tpu.enqueue_dma source(%dma_start3A_263 : memref<1024xi32, #tpu.memory_space<hbm>>) target(%arg5 : memref<1024xi32, #tpu.memory_space<vmem>>) target_semaphore(%run_scoped3A : memref<!tpu.dma_semaphore, #tpu.memory_space<semaphore_mem>>)
      %dma_wait3A_264 = tpu.memref_slice %arg2[%mul3A_2] : memref<32768xi32, #tpu.memory_space<hbm>> -> memref<1024xi32, #tpu.memory_space<hbm>>
      %dma_wait3A_265 = tpu.memref_slice %arg2[%mul3A_2] : memref<32768xi32, #tpu.memory_space<hbm>> -> memref<1024xi32, #tpu.memory_space<hbm>>
      tpu.wait_dma2 semaphore(%run_scoped3A : memref<!tpu.dma_semaphore, #tpu.memory_space<semaphore_mem>>) src(%dma_wait3A_265 : memref<1024xi32, #tpu.memory_space<hbm>>) dst(%arg5 : memref<1024xi32, #tpu.memory_space<vmem>>)
      tpu.yield
    }) : () -> ()
    %scan3A = arith.constant 0 : i32
    %scan3A_3 = arith.constant 0 : i32
    %scan3A_4 = arith.constant 64 : i32
    %scan3A_5 = arith.addi %scan3A_3, %scan3A_4 : i32
    %scan3A_6 = arith.constant 1 : i32
    scf.for %scan3A_262 = %scan3A_3 to %scan3A_5 step %scan3A_6  : i32 {
      %mul3A_263 = arith.constant 16 : i32
      %mul3A_264 = arith.muli %scan3A_262, %mul3A_263 : i32
      %get3A = arith.index_cast %mul3A_264 : i32 to index
      %get3A_265 = tpu.vector_load %arg5[%get3A] {strides = array<i32>} : memref<1024xi32, #tpu.memory_space<vmem>>, vector<16xi32>,
      %get3A_266 = vector.shape_cast %get3A_265 : vector<16xi32> to vector<16xi32>
      %max3A = arith.constant 0 : i32
      %max3A_267 = vector.broadcast %max3A : i32 to vector<16xi32>
      %max3A_268 = arith.maxsi %get3A_266, %max3A_267 : vector<16xi32>
      %min3A = arith.constant 8191 : i32
      %min3A_269 = vector.broadcast %min3A : i32 to vector<16xi32>
      %min3A_270 = arith.minsi %max3A_268, %min3A_269 : vector<16xi32>
      %swap3A = arith.index_cast %mul3A_264 : i32 to index
      %swap3A_271 = tpu.vector_load %arg5[%swap3A] {strides = array<i32>} : memref<1024xi32, #tpu.memory_space<vmem>>, vector<16xi32>,
      %swap3A_272 = vector.shape_cast %swap3A_271 : vector<16xi32> to vector<16xi32>
      %swap3A_273 = vector.shape_cast %min3A_270 : vector<16xi32> to vector<16xi32>
      tpu.vector_store %arg5[%swap3A], %swap3A_273 {strides = array<i32>} : memref<1024xi32, #tpu.memory_space<vmem>>, vector<16xi32>,
    }
    %scan3A_7 = arith.constant 64 : i32
    %dma_start3A = arith.constant 0 : i32
    %dma_start3A_8 = arith.constant 0 : i32
    %dma_start3A_9 = arith.constant 0 : i32
    %dma_start3A_10 = tpu.memref_slice %arg6[%dma_start3A, %dma_start3A_8, %dma_start3A_9] : memref<3x32x1024xf32, #tpu.memory_space<vmem>> -> memref<1x32x1024xf32, #tpu.memory_space<vmem>>
    %dma_start3A_11 = tpu.memref_squeeze %dma_start3A_10 : memref<1x32x1024xf32, #tpu.memory_space<vmem>> -> memref<32x1024xf32, #tpu.memory_space<vmem>>
    %dma_start3A_12 = arith.constant 0 : i32
    %dma_start3A_13 = tpu.memref_slice %arg5[%dma_start3A_12] : memref<1024xi32, #tpu.memory_space<vmem>> -> memref<32xi32, #tpu.memory_space<vmem>>
    %dma_start3A_14 = arith.constant 0 : i32
    %dma_start3A_15 = arith.constant 0 : i32
    %dma_start3A_16 = tpu.memref_slice %arg3[%dma_start3A_14, %dma_start3A_15] : memref<8192x1024xf32, #tpu.memory_space<hbm>> -> memref<8192x1024xf32, #tpu.memory_space<hbm>>
    tpu.enqueue_indirect_dma source(%dma_start3A_16 : memref<8192x1024xf32, #tpu.memory_space<hbm>>) target(%dma_start3A_11 : memref<32x1024xf32, #tpu.memory_space<vmem>>) offsets(%dma_start3A_13 : memref<32xi32, #tpu.memory_space<vmem>>) semaphore(%arg7 : memref<!tpu.dma_semaphore, #tpu.memory_space<semaphore_mem>>)
    %dma_start3A_17 = arith.constant 1 : i32
    %dma_start3A_18 = arith.constant 0 : i32
    %dma_start3A_19 = arith.constant 0 : i32
    %dma_start3A_20 = tpu.memref_slice %arg6[%dma_start3A_17, %dma_start3A_18, %dma_start3A_19] : memref<3x32x1024xf32, #tpu.memory_space<vmem>> -> memref<1x32x1024xf32, #tpu.memory_space<vmem>>
    %dma_start3A_21 = tpu.memref_squeeze %dma_start3A_20 : memref<1x32x1024xf32, #tpu.memory_space<vmem>> -> memref<32x1024xf32, #tpu.memory_space<vmem>>
    %dma_start3A_22 = arith.constant 32 : i32
    %dma_start3A_23 = tpu.memref_slice %arg5[%dma_start3A_22] : memref<1024xi32, #tpu.memory_space<vmem>> -> memref<32xi32, #tpu.memory_space<vmem>>
    %dma_start3A_24 = arith.constant 0 : i32
    %dma_start3A_25 = arith.constant 0 : i32
    %dma_start3A_26 = tpu.memref_slice %arg3[%dma_start3A_24, %dma_start3A_25] : memref<8192x1024xf32, #tpu.memory_space<hbm>> -> memref<8192x1024xf32, #tpu.memory_space<hbm>>
    tpu.enqueue_indirect_dma source(%dma_start3A_26 : memref<8192x1024xf32, #tpu.memory_space<hbm>>) target(%dma_start3A_21 : memref<32x1024xf32, #tpu.memory_space<vmem>>) offsets(%dma_start3A_23 : memref<32xi32, #tpu.memory_space<vmem>>) semaphore(%arg8 : memref<!tpu.dma_semaphore, #tpu.memory_space<semaphore_mem>>)
    %dma_wait3A = arith.constant 0 : i32
    %dma_wait3A_27 = arith.constant 0 : i32
    %dma_wait3A_28 = arith.constant 0 : i32
    %dma_wait3A_29 = tpu.memref_slice %arg6[%dma_wait3A, %dma_wait3A_27, %dma_wait3A_28] : memref<3x32x1024xf32, #tpu.memory_space<vmem>> -> memref<1x32x1024xf32, #tpu.memory_space<vmem>>
    %dma_wait3A_30 = tpu.memref_squeeze %dma_wait3A_29 : memref<1x32x1024xf32, #tpu.memory_space<vmem>> -> memref<32x1024xf32, #tpu.memory_space<vmem>>
    %dma_wait3A_31 = arith.constant 0 : i32
    %dma_wait3A_32 = tpu.memref_slice %arg5[%dma_wait3A_31] : memref<1024xi32, #tpu.memory_space<vmem>> -> memref<32xi32, #tpu.memory_space<vmem>>
    %dma_wait3A_33 = arith.constant 0 : i32
    %dma_wait3A_34 = arith.constant 0 : i32
    %dma_wait3A_35 = tpu.memref_slice %arg3[%dma_wait3A_33, %dma_wait3A_34] : memref<8192x1024xf32, #tpu.memory_space<hbm>> -> memref<8192x1024xf32, #tpu.memory_space<hbm>>
    tpu.wait_indirect_dma semaphore(%arg7 : memref<!tpu.dma_semaphore, #tpu.memory_space<semaphore_mem>>) src(%dma_wait3A_35 : memref<8192x1024xf32, #tpu.memory_space<hbm>>) dst(%dma_wait3A_30 : memref<32x1024xf32, #tpu.memory_space<vmem>>)
    %add3A_36 = arith.constant 0 : i32
    %add3A_37 = arith.addi %mul3A_2, %add3A_36 : i32
    %dma_start3A_38 = arith.constant 0 : i32
    %dma_start3A_39 = arith.constant 0 : i32
    %dma_start3A_40 = arith.constant 0 : i32
    %dma_start3A_41 = tpu.memref_slice %arg6[%dma_start3A_38, %dma_start3A_39, %dma_start3A_40] : memref<3x32x1024xf32, #tpu.memory_space<vmem>> -> memref<1x32x1024xf32, #tpu.memory_space<vmem>>
    %dma_start3A_42 = tpu.memref_squeeze %dma_start3A_41 : memref<1x32x1024xf32, #tpu.memory_space<vmem>> -> memref<32x1024xf32, #tpu.memory_space<vmem>>
    %dma_start3A_43 = arith.constant 0 : i32
    %dma_start3A_44 = tpu.memref_slice %arg4[%add3A_37, %dma_start3A_43] : memref<32768x1024xf32, #tpu.memory_space<hbm>> -> memref<32x1024xf32, #tpu.memory_space<hbm>>
    %dma_start3A_45 = arith.constant 0 : i32
    %dma_start3A_46 = tpu.memref_slice %arg4[%add3A_37, %dma_start3A_45] : memref<32768x1024xf32, #tpu.memory_space<hbm>> -> memref<32x1024xf32, #tpu.memory_space<hbm>>
    %dma_start3A_47 = arith.constant 0 : i32
    %dma_start3A_48 = arith.constant 0 : i32
    %dma_start3A_49 = tpu.memref_slice %arg6[%dma_start3A_38, %dma_start3A_47, %dma_start3A_48] : memref<3x32x1024xf32, #tpu.memory_space<vmem>> -> memref<1x32x1024xf32, #tpu.memory_space<vmem>>
    %dma_start3A_50 = tpu.memref_squeeze %dma_start3A_49 : memref<1x32x1024xf32, #tpu.memory_space<vmem>> -> memref<32x1024xf32, #tpu.memory_space<vmem>>
    tpu.enqueue_dma source(%dma_start3A_50 : memref<32x1024xf32, #tpu.memory_space<vmem>>) target(%dma_start3A_46 : memref<32x1024xf32, #tpu.memory_space<hbm>>) target_semaphore(%arg10 : memref<!tpu.dma_semaphore, #tpu.memory_space<semaphore_mem>>)
    %dma_start3A_51 = arith.constant 2 : i32
    %dma_start3A_52 = arith.constant 0 : i32
    %dma_start3A_53 = arith.constant 0 : i32
    %dma_start3A_54 = tpu.memref_slice %arg6[%dma_start3A_51, %dma_start3A_52, %dma_start3A_53] : memref<3x32x1024xf32, #tpu.memory_space<vmem>> -> memref<1x32x1024xf32, #tpu.memory_space<vmem>>
    %dma_start3A_55 = tpu.memref_squeeze %dma_start3A_54 : memref<1x32x1024xf32, #tpu.memory_space<vmem>> -> memref<32x1024xf32, #tpu.memory_space<vmem>>
    %dma_start3A_56 = arith.constant 64 : i32
    %dma_start3A_57 = tpu.memref_slice %arg5[%dma_start3A_56] : memref<1024xi32, #tpu.memory_space<vmem>> -> memref<32xi32, #tpu.memory_space<vmem>>
    %dma_start3A_58 = arith.constant 0 : i32
    %dma_start3A_59 = arith.constant 0 : i32
    %dma_start3A_60 = tpu.memref_slice %arg3[%dma_start3A_58, %dma_start3A_59] : memref<8192x1024xf32, #tpu.memory_space<hbm>> -> memref<8192x1024xf32, #tpu.memory_space<hbm>>
    tpu.enqueue_indirect_dma source(%dma_start3A_60 : memref<8192x1024xf32, #tpu.memory_space<hbm>>) target(%dma_start3A_55 : memref<32x1024xf32, #tpu.memory_space<vmem>>) offsets(%dma_start3A_57 : memref<32xi32, #tpu.memory_space<vmem>>) semaphore(%arg9 : memref<!tpu.dma_semaphore, #tpu.memory_space<semaphore_mem>>)
    %scan3A_61 = arith.constant 0 : i32
    %scan3A_62 = arith.constant 0 : i32
    %scan3A_63 = arith.constant 9 : i32
    %scan3A_64 = arith.addi %scan3A_62, %scan3A_63 : i32
    %scan3A_65 = arith.constant 1 : i32
    scf.for %scan3A_262 = %scan3A_62 to %scan3A_64 step %scan3A_65  : i32 {
      %mul3A_263 = arith.constant 3 : i32
      %mul3A_264 = arith.muli %scan3A_262, %mul3A_263 : i32
      %add3A_265 = arith.constant 1 : i32
      %add3A_266 = arith.addi %add3A_265, %mul3A_264 : i32
      %add3A_267 = arith.constant 0 : i32
      %add3A_268 = arith.addi %add3A_266, %add3A_267 : i32
      %mul3A_269 = arith.constant 32 : i32
      %mul3A_270 = arith.muli %add3A_268, %mul3A_269 : i32
      %dma_wait3A_271 = arith.constant 1 : i32
      %dma_wait3A_272 = arith.constant 0 : i32
      %dma_wait3A_273 = arith.constant 0 : i32
      %dma_wait3A_274 = tpu.memref_slice %arg6[%dma_wait3A_271, %dma_wait3A_272, %dma_wait3A_273] : memref<3x32x1024xf32, #tpu.memory_space<vmem>> -> memref<1x32x1024xf32, #tpu.memory_space<vmem>>
      %dma_wait3A_275 = tpu.memref_squeeze %dma_wait3A_274 : memref<1x32x1024xf32, #tpu.memory_space<vmem>> -> memref<32x1024xf32, #tpu.memory_space<vmem>>
      %dma_wait3A_276 = tpu.memref_slice %arg5[%mul3A_270] : memref<1024xi32, #tpu.memory_space<vmem>> -> memref<32xi32, #tpu.memory_space<vmem>>
      %dma_wait3A_277 = arith.constant 0 : i32
      %dma_wait3A_278 = arith.constant 0 : i32
      %dma_wait3A_279 = tpu.memref_slice %arg3[%dma_wait3A_277, %dma_wait3A_278] : memref<8192x1024xf32, #tpu.memory_space<hbm>> -> memref<8192x1024xf32, #tpu.memory_space<hbm>>
      tpu.wait_indirect_dma semaphore(%arg8 : memref<!tpu.dma_semaphore, #tpu.memory_space<semaphore_mem>>) src(%dma_wait3A_279 : memref<8192x1024xf32, #tpu.memory_space<hbm>>) dst(%dma_wait3A_275 : memref<32x1024xf32, #tpu.memory_space<vmem>>)
      %mul3A_280 = arith.constant 32 : i32
      %mul3A_281 = arith.muli %add3A_268, %mul3A_280 : i32
      %add3A_282 = arith.addi %mul3A_2, %mul3A_281 : i32
      %dma_start3A_283 = arith.constant 1 : i32
      %dma_start3A_284 = arith.constant 0 : i32
      %dma_start3A_285 = arith.constant 0 : i32
      %dma_start3A_286 = tpu.memref_slice %arg6[%dma_start3A_283, %dma_start3A_284, %dma_start3A_285] : memref<3x32x1024xf32, #tpu.memory_space<vmem>> -> memref<1x32x1024xf32, #tpu.memory_space<vmem>>
      %dma_start3A_287 = tpu.memref_squeeze %dma_start3A_286 : memref<1x32x1024xf32, #tpu.memory_space<vmem>> -> memref<32x1024xf32, #tpu.memory_space<vmem>>
      %dma_start3A_288 = arith.constant 0 : i32
      %dma_start3A_289 = tpu.memref_slice %arg4[%add3A_282, %dma_start3A_288] : memref<32768x1024xf32, #tpu.memory_space<hbm>> -> memref<32x1024xf32, #tpu.memory_space<hbm>>
      %dma_start3A_290 = arith.constant 0 : i32
      %dma_start3A_291 = tpu.memref_slice %arg4[%add3A_282, %dma_start3A_290] : memref<32768x1024xf32, #tpu.memory_space<hbm>> -> memref<32x1024xf32, #tpu.memory_space<hbm>>
      %dma_start3A_292 = arith.constant 0 : i32
      %dma_start3A_293 = arith.constant 0 : i32
      %dma_start3A_294 = tpu.memref_slice %arg6[%dma_start3A_283, %dma_start3A_292, %dma_start3A_293] : memref<3x32x1024xf32, #tpu.memory_space<vmem>> -> memref<1x32x1024xf32, #tpu.memory_space<vmem>>
      %dma_start3A_295 = tpu.memref_squeeze %dma_start3A_294 : memref<1x32x1024xf32, #tpu.memory_space<vmem>> -> memref<32x1024xf32, #tpu.memory_space<vmem>>
      tpu.enqueue_dma source(%dma_start3A_295 : memref<32x1024xf32, #tpu.memory_space<vmem>>) target(%dma_start3A_291 : memref<32x1024xf32, #tpu.memory_space<hbm>>) target_semaphore(%arg11 : memref<!tpu.dma_semaphore, #tpu.memory_space<semaphore_mem>>)
      %add3A_296 = arith.constant 2 : i32
      %add3A_297 = arith.addi %add3A_268, %add3A_296 : i32
      %sub3A = arith.constant 3 : i32
      %sub3A_298 = arith.subi %add3A_297, %sub3A : i32
      %mul3A_299 = arith.constant 32 : i32
      %mul3A_300 = arith.muli %sub3A_298, %mul3A_299 : i32
      %add3A_301 = arith.addi %mul3A_2, %mul3A_300 : i32
      %dma_wait3A_302 = arith.constant 0 : i32
      %dma_wait3A_303 = arith.constant 0 : i32
      %dma_wait3A_304 = arith.constant 0 : i32
      %dma_wait3A_305 = tpu.memref_slice %arg6[%dma_wait3A_302, %dma_wait3A_303, %dma_wait3A_304] : memref<3x32x1024xf32, #tpu.memory_space<vmem>> -> memref<1x32x1024xf32, #tpu.memory_space<vmem>>
      %dma_wait3A_306 = tpu.memref_squeeze %dma_wait3A_305 : memref<1x32x1024xf32, #tpu.memory_space<vmem>> -> memref<32x1024xf32, #tpu.memory_space<vmem>>
      %dma_wait3A_307 = arith.constant 0 : i32
      %dma_wait3A_308 = tpu.memref_slice %arg4[%add3A_301, %dma_wait3A_307] : memref<32768x1024xf32, #tpu.memory_space<hbm>> -> memref<32x1024xf32, #tpu.memory_space<hbm>>
      %dma_wait3A_309 = arith.constant 0 : i32
      %dma_wait3A_310 = tpu.memref_slice %arg4[%add3A_301, %dma_wait3A_309] : memref<32768x1024xf32, #tpu.memory_space<hbm>> -> memref<32x1024xf32, #tpu.memory_space<hbm>>
      %dma_wait3A_311 = arith.constant 0 : i32
      %dma_wait3A_312 = arith.constant 0 : i32
      %dma_wait3A_313 = tpu.memref_slice %arg6[%dma_wait3A_302, %dma_wait3A_311, %dma_wait3A_312] : memref<3x32x1024xf32, #tpu.memory_space<vmem>> -> memref<1x32x1024xf32, #tpu.memory_space<vmem>>
      %dma_wait3A_314 = tpu.memref_squeeze %dma_wait3A_313 : memref<1x32x1024xf32, #tpu.memory_space<vmem>> -> memref<32x1024xf32, #tpu.memory_space<vmem>>
      tpu.wait_dma2 semaphore(%arg10 : memref<!tpu.dma_semaphore, #tpu.memory_space<semaphore_mem>>) src(%dma_wait3A_314 : memref<32x1024xf32, #tpu.memory_space<vmem>>) dst(%dma_wait3A_310 : memref<32x1024xf32, #tpu.memory_space<hbm>>)
      %add3A_315 = arith.constant 2 : i32
      %add3A_316 = arith.addi %add3A_268, %add3A_315 : i32
      %mul3A_317 = arith.constant 32 : i32
      %mul3A_318 = arith.muli %add3A_316, %mul3A_317 : i32
      %dma_start3A_319 = arith.constant 0 : i32
      %dma_start3A_320 = arith.constant 0 : i32
      %dma_start3A_321 = arith.constant 0 : i32
      %dma_start3A_322 = tpu.memref_slice %arg6[%dma_start3A_319, %dma_start3A_320, %dma_start3A_321] : memref<3x32x1024xf32, #tpu.memory_space<vmem>> -> memref<1x32x1024xf32, #tpu.memory_space<vmem>>
      %dma_start3A_323 = tpu.memref_squeeze %dma_start3A_322 : memref<1x32x1024xf32, #tpu.memory_space<vmem>> -> memref<32x1024xf32, #tpu.memory_space<vmem>>
      %dma_start3A_324 = tpu.memref_slice %arg5[%mul3A_318] : memref<1024xi32, #tpu.memory_space<vmem>> -> memref<32xi32, #tpu.memory_space<vmem>>
      %dma_start3A_325 = arith.constant 0 : i32
      %dma_start3A_326 = arith.constant 0 : i32
      %dma_start3A_327 = tpu.memref_slice %arg3[%dma_start3A_325, %dma_start3A_326] : memref<8192x1024xf32, #tpu.memory_space<hbm>> -> memref<8192x1024xf32, #tpu.memory_space<hbm>>
      tpu.enqueue_indirect_dma source(%dma_start3A_327 : memref<8192x1024xf32, #tpu.memory_space<hbm>>) target(%dma_start3A_323 : memref<32x1024xf32, #tpu.memory_space<vmem>>) offsets(%dma_start3A_324 : memref<32xi32, #tpu.memory_space<vmem>>) semaphore(%arg7 : memref<!tpu.dma_semaphore, #tpu.memory_space<semaphore_mem>>)
      %add3A_328 = arith.constant 1 : i32
      %add3A_329 = arith.addi %add3A_266, %add3A_328 : i32
      %mul3A_330 = arith.constant 32 : i32
      %mul3A_331 = arith.muli %add3A_329, %mul3A_330 : i32
      %dma_wait3A_332 = arith.constant 2 : i32
      %dma_wait3A_333 = arith.constant 0 : i32
      %dma_wait3A_334 = arith.constant 0 : i32
      %dma_wait3A_335 = tpu.memref_slice %arg6[%dma_wait3A_332, %dma_wait3A_333, %dma_wait3A_334] : memref<3x32x1024xf32, #tpu.memory_space<vmem>> -> memref<1x32x1024xf32, #tpu.memory_space<vmem>>
      %dma_wait3A_336 = tpu.memref_squeeze %dma_wait3A_335 : memref<1x32x1024xf32, #tpu.memory_space<vmem>> -> memref<32x1024xf32, #tpu.memory_space<vmem>>
      %dma_wait3A_337 = tpu.memref_slice %arg5[%mul3A_331] : memref<1024xi32, #tpu.memory_space<vmem>> -> memref<32xi32, #tpu.memory_space<vmem>>
      %dma_wait3A_338 = arith.constant 0 : i32
      %dma_wait3A_339 = arith.constant 0 : i32
      %dma_wait3A_340 = tpu.memref_slice %arg3[%dma_wait3A_338, %dma_wait3A_339] : memref<8192x1024xf32, #tpu.memory_space<hbm>> -> memref<8192x1024xf32, #tpu.memory_space<hbm>>
      tpu.wait_indirect_dma semaphore(%arg9 : memref<!tpu.dma_semaphore, #tpu.memory_space<semaphore_mem>>) src(%dma_wait3A_340 : memref<8192x1024xf32, #tpu.memory_space<hbm>>) dst(%dma_wait3A_336 : memref<32x1024xf32, #tpu.memory_space<vmem>>)
      %mul3A_341 = arith.constant 32 : i32
      %mul3A_342 = arith.muli %add3A_329, %mul3A_341 : i32
      %add3A_343 = arith.addi %mul3A_2, %mul3A_342 : i32
      %dma_start3A_344 = arith.constant 2 : i32
      %dma_start3A_345 = arith.constant 0 : i32
      %dma_start3A_346 = arith.constant 0 : i32
      %dma_start3A_347 = tpu.memref_slice %arg6[%dma_start3A_344, %dma_start3A_345, %dma_start3A_346] : memref<3x32x1024xf32, #tpu.memory_space<vmem>> -> memref<1x32x1024xf32, #tpu.memory_space<vmem>>
      %dma_start3A_348 = tpu.memref_squeeze %dma_start3A_347 : memref<1x32x1024xf32, #tpu.memory_space<vmem>> -> memref<32x1024xf32, #tpu.memory_space<vmem>>
      %dma_start3A_349 = arith.constant 0 : i32
      %dma_start3A_350 = tpu.memref_slice %arg4[%add3A_343, %dma_start3A_349] : memref<32768x1024xf32, #tpu.memory_space<hbm>> -> memref<32x1024xf32, #tpu.memory_space<hbm>>
      %dma_start3A_351 = arith.constant 0 : i32
      %dma_start3A_352 = tpu.memref_slice %arg4[%add3A_343, %dma_start3A_351] : memref<32768x1024xf32, #tpu.memory_space<hbm>> -> memref<32x1024xf32, #tpu.memory_space<hbm>>
      %dma_start3A_353 = arith.constant 0 : i32
      %dma_start3A_354 = arith.constant 0 : i32
      %dma_start3A_355 = tpu.memref_slice %arg6[%dma_start3A_344, %dma_start3A_353, %dma_start3A_354] : memref<3x32x1024xf32, #tpu.memory_space<vmem>> -> memref<1x32x1024xf32, #tpu.memory_space<vmem>>
      %dma_start3A_356 = tpu.memref_squeeze %dma_start3A_355 : memref<1x32x1024xf32, #tpu.memory_space<vmem>> -> memref<32x1024xf32, #tpu.memory_space<vmem>>
      tpu.enqueue_dma source(%dma_start3A_356 : memref<32x1024xf32, #tpu.memory_space<vmem>>) target(%dma_start3A_352 : memref<32x1024xf32, #tpu.memory_space<hbm>>) target_semaphore(%arg12 : memref<!tpu.dma_semaphore, #tpu.memory_space<semaphore_mem>>)
      %add3A_357 = arith.constant 2 : i32
      %add3A_358 = arith.addi %add3A_329, %add3A_357 : i32
      %sub3A_359 = arith.constant 3 : i32
      %sub3A_360 = arith.subi %add3A_358, %sub3A_359 : i32
      %mul3A_361 = arith.constant 32 : i32
      %mul3A_362 = arith.muli %sub3A_360, %mul3A_361 : i32
      %add3A_363 = arith.addi %mul3A_2, %mul3A_362 : i32
      %dma_wait3A_364 = arith.constant 1 : i32
      %dma_wait3A_365 = arith.constant 0 : i32
      %dma_wait3A_366 = arith.constant 0 : i32
      %dma_wait3A_367 = tpu.memref_slice %arg6[%dma_wait3A_364, %dma_wait3A_365, %dma_wait3A_366] : memref<3x32x1024xf32, #tpu.memory_space<vmem>> -> memref<1x32x1024xf32, #tpu.memory_space<vmem>>
      %dma_wait3A_368 = tpu.memref_squeeze %dma_wait3A_367 : memref<1x32x1024xf32, #tpu.memory_space<vmem>> -> memref<32x1024xf32, #tpu.memory_space<vmem>>
      %dma_wait3A_369 = arith.constant 0 : i32
      %dma_wait3A_370 = tpu.memref_slice %arg4[%add3A_363, %dma_wait3A_369] : memref<32768x1024xf32, #tpu.memory_space<hbm>> -> memref<32x1024xf32, #tpu.memory_space<hbm>>
      %dma_wait3A_371 = arith.constant 0 : i32
      %dma_wait3A_372 = tpu.memref_slice %arg4[%add3A_363, %dma_wait3A_371] : memref<32768x1024xf32, #tpu.memory_space<hbm>> -> memref<32x1024xf32, #tpu.memory_space<hbm>>
      %dma_wait3A_373 = arith.constant 0 : i32
      %dma_wait3A_374 = arith.constant 0 : i32
      %dma_wait3A_375 = tpu.memref_slice %arg6[%dma_wait3A_364, %dma_wait3A_373, %dma_wait3A_374] : memref<3x32x1024xf32, #tpu.memory_space<vmem>> -> memref<1x32x1024xf32, #tpu.memory_space<vmem>>
      %dma_wait3A_376 = tpu.memref_squeeze %dma_wait3A_375 : memref<1x32x1024xf32, #tpu.memory_space<vmem>> -> memref<32x1024xf32, #tpu.memory_space<vmem>>
      tpu.wait_dma2 semaphore(%arg11 : memref<!tpu.dma_semaphore, #tpu.memory_space<semaphore_mem>>) src(%dma_wait3A_376 : memref<32x1024xf32, #tpu.memory_space<vmem>>) dst(%dma_wait3A_372 : memref<32x1024xf32, #tpu.memory_space<hbm>>)
      %add3A_377 = arith.constant 2 : i32
      %add3A_378 = arith.addi %add3A_329, %add3A_377 : i32
      %mul3A_379 = arith.constant 32 : i32
      %mul3A_380 = arith.muli %add3A_378, %mul3A_379 : i32
      %dma_start3A_381 = arith.constant 1 : i32
      %dma_start3A_382 = arith.constant 0 : i32
      %dma_start3A_383 = arith.constant 0 : i32
      %dma_start3A_384 = tpu.memref_slice %arg6[%dma_start3A_381, %dma_start3A_382, %dma_start3A_383] : memref<3x32x1024xf32, #tpu.memory_space<vmem>> -> memref<1x32x1024xf32, #tpu.memory_space<vmem>>
      %dma_start3A_385 = tpu.memref_squeeze %dma_start3A_384 : memref<1x32x1024xf32, #tpu.memory_space<vmem>> -> memref<32x1024xf32, #tpu.memory_space<vmem>>
      %dma_start3A_386 = tpu.memref_slice %arg5[%mul3A_380] : memref<1024xi32, #tpu.memory_space<vmem>> -> memref<32xi32, #tpu.memory_space<vmem>>
      %dma_start3A_387 = arith.constant 0 : i32
      %dma_start3A_388 = arith.constant 0 : i32
      %dma_start3A_389 = tpu.memref_slice %arg3[%dma_start3A_387, %dma_start3A_388] : memref<8192x1024xf32, #tpu.memory_space<hbm>> -> memref<8192x1024xf32, #tpu.memory_space<hbm>>
      tpu.enqueue_indirect_dma source(%dma_start3A_389 : memref<8192x1024xf32, #tpu.memory_space<hbm>>) target(%dma_start3A_385 : memref<32x1024xf32, #tpu.memory_space<vmem>>) offsets(%dma_start3A_386 : memref<32xi32, #tpu.memory_space<vmem>>) semaphore(%arg8 : memref<!tpu.dma_semaphore, #tpu.memory_space<semaphore_mem>>)
      %add3A_390 = arith.constant 2 : i32
      %add3A_391 = arith.addi %add3A_266, %add3A_390 : i32
      %mul3A_392 = arith.constant 32 : i32
      %mul3A_393 = arith.muli %add3A_391, %mul3A_392 : i32
      %dma_wait3A_394 = arith.constant 0 : i32
      %dma_wait3A_395 = arith.constant 0 : i32
      %dma_wait3A_396 = arith.constant 0 : i32
      %dma_wait3A_397 = tpu.memref_slice %arg6[%dma_wait3A_394, %dma_wait3A_395, %dma_wait3A_396] : memref<3x32x1024xf32, #tpu.memory_space<vmem>> -> memref<1x32x1024xf32, #tpu.memory_space<vmem>>
      %dma_wait3A_398 = tpu.memref_squeeze %dma_wait3A_397 : memref<1x32x1024xf32, #tpu.memory_space<vmem>> -> memref<32x1024xf32, #tpu.memory_space<vmem>>
      %dma_wait3A_399 = tpu.memref_slice %arg5[%mul3A_393] : memref<1024xi32, #tpu.memory_space<vmem>> -> memref<32xi32, #tpu.memory_space<vmem>>
      %dma_wait3A_400 = arith.constant 0 : i32
      %dma_wait3A_401 = arith.constant 0 : i32
      %dma_wait3A_402 = tpu.memref_slice %arg3[%dma_wait3A_400, %dma_wait3A_401] : memref<8192x1024xf32, #tpu.memory_space<hbm>> -> memref<8192x1024xf32, #tpu.memory_space<hbm>>
      tpu.wait_indirect_dma semaphore(%arg7 : memref<!tpu.dma_semaphore, #tpu.memory_space<semaphore_mem>>) src(%dma_wait3A_402 : memref<8192x1024xf32, #tpu.memory_space<hbm>>) dst(%dma_wait3A_398 : memref<32x1024xf32, #tpu.memory_space<vmem>>)
      %mul3A_403 = arith.constant 32 : i32
      %mul3A_404 = arith.muli %add3A_391, %mul3A_403 : i32
      %add3A_405 = arith.addi %mul3A_2, %mul3A_404 : i32
      %dma_start3A_406 = arith.constant 0 : i32
      %dma_start3A_407 = arith.constant 0 : i32
      %dma_start3A_408 = arith.constant 0 : i32
      %dma_start3A_409 = tpu.memref_slice %arg6[%dma_start3A_406, %dma_start3A_407, %dma_start3A_408] : memref<3x32x1024xf32, #tpu.memory_space<vmem>> -> memref<1x32x1024xf32, #tpu.memory_space<vmem>>
      %dma_start3A_410 = tpu.memref_squeeze %dma_start3A_409 : memref<1x32x1024xf32, #tpu.memory_space<vmem>> -> memref<32x1024xf32, #tpu.memory_space<vmem>>
      %dma_start3A_411 = arith.constant 0 : i32
      %dma_start3A_412 = tpu.memref_slice %arg4[%add3A_405, %dma_start3A_411] : memref<32768x1024xf32, #tpu.memory_space<hbm>> -> memref<32x1024xf32, #tpu.memory_space<hbm>>
      %dma_start3A_413 = arith.constant 0 : i32
      %dma_start3A_414 = tpu.memref_slice %arg4[%add3A_405, %dma_start3A_413] : memref<32768x1024xf32, #tpu.memory_space<hbm>> -> memref<32x1024xf32, #tpu.memory_space<hbm>>
      %dma_start3A_415 = arith.constant 0 : i32
      %dma_start3A_416 = arith.constant 0 : i32
      %dma_start3A_417 = tpu.memref_slice %arg6[%dma_start3A_406, %dma_start3A_415, %dma_start3A_416] : memref<3x32x1024xf32, #tpu.memory_space<vmem>> -> memref<1x32x1024xf32, #tpu.memory_space<vmem>>
      %dma_start3A_418 = tpu.memref_squeeze %dma_start3A_417 : memref<1x32x1024xf32, #tpu.memory_space<vmem>> -> memref<32x1024xf32, #tpu.memory_space<vmem>>
      tpu.enqueue_dma source(%dma_start3A_418 : memref<32x1024xf32, #tpu.memory_space<vmem>>) target(%dma_start3A_414 : memref<32x1024xf32, #tpu.memory_space<hbm>>) target_semaphore(%arg10 : memref<!tpu.dma_semaphore, #tpu.memory_space<semaphore_mem>>)
      %add3A_419 = arith.constant 2 : i32
      %add3A_420 = arith.addi %add3A_391, %add3A_419 : i32
      %sub3A_421 = arith.constant 3 : i32
      %sub3A_422 = arith.subi %add3A_420, %sub3A_421 : i32
      %mul3A_423 = arith.constant 32 : i32
      %mul3A_424 = arith.muli %sub3A_422, %mul3A_423 : i32
      %add3A_425 = arith.addi %mul3A_2, %mul3A_424 : i32
      %dma_wait3A_426 = arith.constant 2 : i32
      %dma_wait3A_427 = arith.constant 0 : i32
      %dma_wait3A_428 = arith.constant 0 : i32
      %dma_wait3A_429 = tpu.memref_slice %arg6[%dma_wait3A_426, %dma_wait3A_427, %dma_wait3A_428] : memref<3x32x1024xf32, #tpu.memory_space<vmem>> -> memref<1x32x1024xf32, #tpu.memory_space<vmem>>
      %dma_wait3A_430 = tpu.memref_squeeze %dma_wait3A_429 : memref<1x32x1024xf32, #tpu.memory_space<vmem>> -> memref<32x1024xf32, #tpu.memory_space<vmem>>
      %dma_wait3A_431 = arith.constant 0 : i32
      %dma_wait3A_432 = tpu.memref_slice %arg4[%add3A_425, %dma_wait3A_431] : memref<32768x1024xf32, #tpu.memory_space<hbm>> -> memref<32x1024xf32, #tpu.memory_space<hbm>>
      %dma_wait3A_433 = arith.constant 0 : i32
      %dma_wait3A_434 = tpu.memref_slice %arg4[%add3A_425, %dma_wait3A_433] : memref<32768x1024xf32, #tpu.memory_space<hbm>> -> memref<32x1024xf32, #tpu.memory_space<hbm>>
      %dma_wait3A_435 = arith.constant 0 : i32
      %dma_wait3A_436 = arith.constant 0 : i32
      %dma_wait3A_437 = tpu.memref_slice %arg6[%dma_wait3A_426, %dma_wait3A_435, %dma_wait3A_436] : memref<3x32x1024xf32, #tpu.memory_space<vmem>> -> memref<1x32x1024xf32, #tpu.memory_space<vmem>>
      %dma_wait3A_438 = tpu.memref_squeeze %dma_wait3A_437 : memref<1x32x1024xf32, #tpu.memory_space<vmem>> -> memref<32x1024xf32, #tpu.memory_space<vmem>>
      tpu.wait_dma2 semaphore(%arg12 : memref<!tpu.dma_semaphore, #tpu.memory_space<semaphore_mem>>) src(%dma_wait3A_438 : memref<32x1024xf32, #tpu.memory_space<vmem>>) dst(%dma_wait3A_434 : memref<32x1024xf32, #tpu.memory_space<hbm>>)
      %add3A_439 = arith.constant 2 : i32
      %add3A_440 = arith.addi %add3A_391, %add3A_439 : i32
      %mul3A_441 = arith.constant 32 : i32
      %mul3A_442 = arith.muli %add3A_440, %mul3A_441 : i32
      %dma_start3A_443 = arith.constant 2 : i32
      %dma_start3A_444 = arith.constant 0 : i32
      %dma_start3A_445 = arith.constant 0 : i32
      %dma_start3A_446 = tpu.memref_slice %arg6[%dma_start3A_443, %dma_start3A_444, %dma_start3A_445] : memref<3x32x1024xf32, #tpu.memory_space<vmem>> -> memref<1x32x1024xf32, #tpu.memory_space<vmem>>
      %dma_start3A_447 = tpu.memref_squeeze %dma_start3A_446 : memref<1x32x1024xf32, #tpu.memory_space<vmem>> -> memref<32x1024xf32, #tpu.memory_space<vmem>>
      %dma_start3A_448 = tpu.memref_slice %arg5[%mul3A_442] : memref<1024xi32, #tpu.memory_space<vmem>> -> memref<32xi32, #tpu.memory_space<vmem>>
      %dma_start3A_449 = arith.constant 0 : i32
      %dma_start3A_450 = arith.constant 0 : i32
      %dma_start3A_451 = tpu.memref_slice %arg3[%dma_start3A_449, %dma_start3A_450] : memref<8192x1024xf32, #tpu.memory_space<hbm>> -> memref<8192x1024xf32, #tpu.memory_space<hbm>>
      tpu.enqueue_indirect_dma source(%dma_start3A_451 : memref<8192x1024xf32, #tpu.memory_space<hbm>>) target(%dma_start3A_447 : memref<32x1024xf32, #tpu.memory_space<vmem>>) offsets(%dma_start3A_448 : memref<32xi32, #tpu.memory_space<vmem>>) semaphore(%arg9 : memref<!tpu.dma_semaphore, #tpu.memory_space<semaphore_mem>>)
    }
    %scan3A_66 = arith.constant 9 : i32
    %dma_wait3A_67 = arith.constant 1 : i32
    %dma_wait3A_68 = arith.constant 0 : i32
    %dma_wait3A_69 = arith.constant 0 : i32
    %dma_wait3A_70 = tpu.memref_slice %arg6[%dma_wait3A_67, %dma_wait3A_68, %dma_wait3A_69] : memref<3x32x1024xf32, #tpu.memory_space<vmem>> -> memref<1x32x1024xf32, #tpu.memory_space<vmem>>
    %dma_wait3A_71 = tpu.memref_squeeze %dma_wait3A_70 : memref<1x32x1024xf32, #tpu.memory_space<vmem>> -> memref<32x1024xf32, #tpu.memory_space<vmem>>
    %dma_wait3A_72 = arith.constant 896 : i32
    %dma_wait3A_73 = tpu.memref_slice %arg5[%dma_wait3A_72] : memref<1024xi32, #tpu.memory_space<vmem>> -> memref<32xi32, #tpu.memory_space<vmem>>
    %dma_wait3A_74 = arith.constant 0 : i32
    %dma_wait3A_75 = arith.constant 0 : i32
    %dma_wait3A_76 = tpu.memref_slice %arg3[%dma_wait3A_74, %dma_wait3A_75] : memref<8192x1024xf32, #tpu.memory_space<hbm>> -> memref<8192x1024xf32, #tpu.memory_space<hbm>>
    tpu.wait_indirect_dma semaphore(%arg8 : memref<!tpu.dma_semaphore, #tpu.memory_space<semaphore_mem>>) src(%dma_wait3A_76 : memref<8192x1024xf32, #tpu.memory_space<hbm>>) dst(%dma_wait3A_71 : memref<32x1024xf32, #tpu.memory_space<vmem>>)
    %add3A_77 = arith.constant 896 : i32
    %add3A_78 = arith.addi %mul3A_2, %add3A_77 : i32
    %dma_start3A_79 = arith.constant 1 : i32
    %dma_start3A_80 = arith.constant 0 : i32
    %dma_start3A_81 = arith.constant 0 : i32
    %dma_start3A_82 = tpu.memref_slice %arg6[%dma_start3A_79, %dma_start3A_80, %dma_start3A_81] : memref<3x32x1024xf32, #tpu.memory_space<vmem>> -> memref<1x32x1024xf32, #tpu.memory_space<vmem>>
    %dma_start3A_83 = tpu.memref_squeeze %dma_start3A_82 : memref<1x32x1024xf32, #tpu.memory_space<vmem>> -> memref<32x1024xf32, #tpu.memory_space<vmem>>
    %dma_start3A_84 = arith.constant 0 : i32
    %dma_start3A_85 = tpu.memref_slice %arg4[%add3A_78, %dma_start3A_84] : memref<32768x1024xf32, #tpu.memory_space<hbm>> -> memref<32x1024xf32, #tpu.memory_space<hbm>>
    %dma_start3A_86 = arith.constant 0 : i32
    %dma_start3A_87 = tpu.memref_slice %arg4[%add3A_78, %dma_start3A_86] : memref<32768x1024xf32, #tpu.memory_space<hbm>> -> memref<32x1024xf32, #tpu.memory_space<hbm>>
    %dma_start3A_88 = arith.constant 0 : i32
    %dma_start3A_89 = arith.constant 0 : i32
    %dma_start3A_90 = tpu.memref_slice %arg6[%dma_start3A_79, %dma_start3A_88, %dma_start3A_89] : memref<3x32x1024xf32, #tpu.memory_space<vmem>> -> memref<1x32x1024xf32, #tpu.memory_space<vmem>>
    %dma_start3A_91 = tpu.memref_squeeze %dma_start3A_90 : memref<1x32x1024xf32, #tpu.memory_space<vmem>> -> memref<32x1024xf32, #tpu.memory_space<vmem>>
    tpu.enqueue_dma source(%dma_start3A_91 : memref<32x1024xf32, #tpu.memory_space<vmem>>) target(%dma_start3A_87 : memref<32x1024xf32, #tpu.memory_space<hbm>>) target_semaphore(%arg11 : memref<!tpu.dma_semaphore, #tpu.memory_space<semaphore_mem>>)
    %add3A_92 = arith.constant 864 : i32
    %add3A_93 = arith.addi %mul3A_2, %add3A_92 : i32
    %dma_wait3A_94 = arith.constant 0 : i32
    %dma_wait3A_95 = arith.constant 0 : i32
    %dma_wait3A_96 = arith.constant 0 : i32
    %dma_wait3A_97 = tpu.memref_slice %arg6[%dma_wait3A_94, %dma_wait3A_95, %dma_wait3A_96] : memref<3x32x1024xf32, #tpu.memory_space<vmem>> -> memref<1x32x1024xf32, #tpu.memory_space<vmem>>
    %dma_wait3A_98 = tpu.memref_squeeze %dma_wait3A_97 : memref<1x32x1024xf32, #tpu.memory_space<vmem>> -> memref<32x1024xf32, #tpu.memory_space<vmem>>
    %dma_wait3A_99 = arith.constant 0 : i32
    %dma_wait3A_100 = tpu.memref_slice %arg4[%add3A_93, %dma_wait3A_99] : memref<32768x1024xf32, #tpu.memory_space<hbm>> -> memref<32x1024xf32, #tpu.memory_space<hbm>>
    %dma_wait3A_101 = arith.constant 0 : i32
    %dma_wait3A_102 = tpu.memref_slice %arg4[%add3A_93, %dma_wait3A_101] : memref<32768x1024xf32, #tpu.memory_space<hbm>> -> memref<32x1024xf32, #tpu.memory_space<hbm>>
    %dma_wait3A_103 = arith.constant 0 : i32
    %dma_wait3A_104 = arith.constant 0 : i32
    %dma_wait3A_105 = tpu.memref_slice %arg6[%dma_wait3A_94, %dma_wait3A_103, %dma_wait3A_104] : memref<3x32x1024xf32, #tpu.memory_space<vmem>> -> memref<1x32x1024xf32, #tpu.memory_space<vmem>>
    %dma_wait3A_106 = tpu.memref_squeeze %dma_wait3A_105 : memref<1x32x1024xf32, #tpu.memory_space<vmem>> -> memref<32x1024xf32, #tpu.memory_space<vmem>>
    tpu.wait_dma2 semaphore(%arg10 : memref<!tpu.dma_semaphore, #tpu.memory_space<semaphore_mem>>) src(%dma_wait3A_106 : memref<32x1024xf32, #tpu.memory_space<vmem>>) dst(%dma_wait3A_102 : memref<32x1024xf32, #tpu.memory_space<hbm>>)
    %dma_start3A_107 = arith.constant 0 : i32
    %dma_start3A_108 = arith.constant 0 : i32
    %dma_start3A_109 = arith.constant 0 : i32
    %dma_start3A_110 = tpu.memref_slice %arg6[%dma_start3A_107, %dma_start3A_108, %dma_start3A_109] : memref<3x32x1024xf32, #tpu.memory_space<vmem>> -> memref<1x32x1024xf32, #tpu.memory_space<vmem>>
    %dma_start3A_111 = tpu.memref_squeeze %dma_start3A_110 : memref<1x32x1024xf32, #tpu.memory_space<vmem>> -> memref<32x1024xf32, #tpu.memory_space<vmem>>
    %dma_start3A_112 = arith.constant 960 : i32
    %dma_start3A_113 = tpu.memref_slice %arg5[%dma_start3A_112] : memref<1024xi32, #tpu.memory_space<vmem>> -> memref<32xi32, #tpu.memory_space<vmem>>
    %dma_start3A_114 = arith.constant 0 : i32
    %dma_start3A_115 = arith.constant 0 : i32
    %dma_start3A_116 = tpu.memref_slice %arg3[%dma_start3A_114, %dma_start3A_115] : memref<8192x1024xf32, #tpu.memory_space<hbm>> -> memref<8192x1024xf32, #tpu.memory_space<hbm>>
    tpu.enqueue_indirect_dma source(%dma_start3A_116 : memref<8192x1024xf32, #tpu.memory_space<hbm>>) target(%dma_start3A_111 : memref<32x1024xf32, #tpu.memory_space<vmem>>) offsets(%dma_start3A_113 : memref<32xi32, #tpu.memory_space<vmem>>) semaphore(%arg7 : memref<!tpu.dma_semaphore, #tpu.memory_space<semaphore_mem>>)
    %dma_wait3A_117 = arith.constant 2 : i32
    %dma_wait3A_118 = arith.constant 0 : i32
    %dma_wait3A_119 = arith.constant 0 : i32
    %dma_wait3A_120 = tpu.memref_slice %arg6[%dma_wait3A_117, %dma_wait3A_118, %dma_wait3A_119] : memref<3x32x1024xf32, #tpu.memory_space<vmem>> -> memref<1x32x1024xf32, #tpu.memory_space<vmem>>
    %dma_wait3A_121 = tpu.memref_squeeze %dma_wait3A_120 : memref<1x32x1024xf32, #tpu.memory_space<vmem>> -> memref<32x1024xf32, #tpu.memory_space<vmem>>
    %dma_wait3A_122 = arith.constant 928 : i32
    %dma_wait3A_123 = tpu.memref_slice %arg5[%dma_wait3A_122] : memref<1024xi32, #tpu.memory_space<vmem>> -> memref<32xi32, #tpu.memory_space<vmem>>
    %dma_wait3A_124 = arith.constant 0 : i32
    %dma_wait3A_125 = arith.constant 0 : i32
    %dma_wait3A_126 = tpu.memref_slice %arg3[%dma_wait3A_124, %dma_wait3A_125] : memref<8192x1024xf32, #tpu.memory_space<hbm>> -> memref<8192x1024xf32, #tpu.memory_space<hbm>>
    tpu.wait_indirect_dma semaphore(%arg9 : memref<!tpu.dma_semaphore, #tpu.memory_space<semaphore_mem>>) src(%dma_wait3A_126 : memref<8192x1024xf32, #tpu.memory_space<hbm>>) dst(%dma_wait3A_121 : memref<32x1024xf32, #tpu.memory_space<vmem>>)
    %add3A_127 = arith.constant 928 : i32
    %add3A_128 = arith.addi %mul3A_2, %add3A_127 : i32
    %dma_start3A_129 = arith.constant 2 : i32
    %dma_start3A_130 = arith.constant 0 : i32
    %dma_start3A_131 = arith.constant 0 : i32
    %dma_start3A_132 = tpu.memref_slice %arg6[%dma_start3A_129, %dma_start3A_130, %dma_start3A_131] : memref<3x32x1024xf32, #tpu.memory_space<vmem>> -> memref<1x32x1024xf32, #tpu.memory_space<vmem>>
    %dma_start3A_133 = tpu.memref_squeeze %dma_start3A_132 : memref<1x32x1024xf32, #tpu.memory_space<vmem>> -> memref<32x1024xf32, #tpu.memory_space<vmem>>
    %dma_start3A_134 = arith.constant 0 : i32
    %dma_start3A_135 = tpu.memref_slice %arg4[%add3A_128, %dma_start3A_134] : memref<32768x1024xf32, #tpu.memory_space<hbm>> -> memref<32x1024xf32, #tpu.memory_space<hbm>>
    %dma_start3A_136 = arith.constant 0 : i32
    %dma_start3A_137 = tpu.memref_slice %arg4[%add3A_128, %dma_start3A_136] : memref<32768x1024xf32, #tpu.memory_space<hbm>> -> memref<32x1024xf32, #tpu.memory_space<hbm>>
    %dma_start3A_138 = arith.constant 0 : i32
    %dma_start3A_139 = arith.constant 0 : i32
    %dma_start3A_140 = tpu.memref_slice %arg6[%dma_start3A_129, %dma_start3A_138, %dma_start3A_139] : memref<3x32x1024xf32, #tpu.memory_space<vmem>> -> memref<1x32x1024xf32, #tpu.memory_space<vmem>>
    %dma_start3A_141 = tpu.memref_squeeze %dma_start3A_140 : memref<1x32x1024xf32, #tpu.memory_space<vmem>> -> memref<32x1024xf32, #tpu.memory_space<vmem>>
    tpu.enqueue_dma source(%dma_start3A_141 : memref<32x1024xf32, #tpu.memory_space<vmem>>) target(%dma_start3A_137 : memref<32x1024xf32, #tpu.memory_space<hbm>>) target_semaphore(%arg12 : memref<!tpu.dma_semaphore, #tpu.memory_space<semaphore_mem>>)
    %add3A_142 = arith.constant 896 : i32
    %add3A_143 = arith.addi %mul3A_2, %add3A_142 : i32
    %dma_wait3A_144 = arith.constant 1 : i32
    %dma_wait3A_145 = arith.constant 0 : i32
    %dma_wait3A_146 = arith.constant 0 : i32
    %dma_wait3A_147 = tpu.memref_slice %arg6[%dma_wait3A_144, %dma_wait3A_145, %dma_wait3A_146] : memref<3x32x1024xf32, #tpu.memory_space<vmem>> -> memref<1x32x1024xf32, #tpu.memory_space<vmem>>
    %dma_wait3A_148 = tpu.memref_squeeze %dma_wait3A_147 : memref<1x32x1024xf32, #tpu.memory_space<vmem>> -> memref<32x1024xf32, #tpu.memory_space<vmem>>
    %dma_wait3A_149 = arith.constant 0 : i32
    %dma_wait3A_150 = tpu.memref_slice %arg4[%add3A_143, %dma_wait3A_149] : memref<32768x1024xf32, #tpu.memory_space<hbm>> -> memref<32x1024xf32, #tpu.memory_space<hbm>>
    %dma_wait3A_151 = arith.constant 0 : i32
    %dma_wait3A_152 = tpu.memref_slice %arg4[%add3A_143, %dma_wait3A_151] : memref<32768x1024xf32, #tpu.memory_space<hbm>> -> memref<32x1024xf32, #tpu.memory_space<hbm>>
    %dma_wait3A_153 = arith.constant 0 : i32
    %dma_wait3A_154 = arith.constant 0 : i32
    %dma_wait3A_155 = tpu.memref_slice %arg6[%dma_wait3A_144, %dma_wait3A_153, %dma_wait3A_154] : memref<3x32x1024xf32, #tpu.memory_space<vmem>> -> memref<1x32x1024xf32, #tpu.memory_space<vmem>>
    %dma_wait3A_156 = tpu.memref_squeeze %dma_wait3A_155 : memref<1x32x1024xf32, #tpu.memory_space<vmem>> -> memref<32x1024xf32, #tpu.memory_space<vmem>>
    tpu.wait_dma2 semaphore(%arg11 : memref<!tpu.dma_semaphore, #tpu.memory_space<semaphore_mem>>) src(%dma_wait3A_156 : memref<32x1024xf32, #tpu.memory_space<vmem>>) dst(%dma_wait3A_152 : memref<32x1024xf32, #tpu.memory_space<hbm>>)
    %dma_start3A_157 = arith.constant 1 : i32
    %dma_start3A_158 = arith.constant 0 : i32
    %dma_start3A_159 = arith.constant 0 : i32
    %dma_start3A_160 = tpu.memref_slice %arg6[%dma_start3A_157, %dma_start3A_158, %dma_start3A_159] : memref<3x32x1024xf32, #tpu.memory_space<vmem>> -> memref<1x32x1024xf32, #tpu.memory_space<vmem>>
    %dma_start3A_161 = tpu.memref_squeeze %dma_start3A_160 : memref<1x32x1024xf32, #tpu.memory_space<vmem>> -> memref<32x1024xf32, #tpu.memory_space<vmem>>
    %dma_start3A_162 = arith.constant 992 : i32
    %dma_start3A_163 = tpu.memref_slice %arg5[%dma_start3A_162] : memref<1024xi32, #tpu.memory_space<vmem>> -> memref<32xi32, #tpu.memory_space<vmem>>
    %dma_start3A_164 = arith.constant 0 : i32
    %dma_start3A_165 = arith.constant 0 : i32
    %dma_start3A_166 = tpu.memref_slice %arg3[%dma_start3A_164, %dma_start3A_165] : memref<8192x1024xf32, #tpu.memory_space<hbm>> -> memref<8192x1024xf32, #tpu.memory_space<hbm>>
    tpu.enqueue_indirect_dma source(%dma_start3A_166 : memref<8192x1024xf32, #tpu.memory_space<hbm>>) target(%dma_start3A_161 : memref<32x1024xf32, #tpu.memory_space<vmem>>) offsets(%dma_start3A_163 : memref<32xi32, #tpu.memory_space<vmem>>) semaphore(%arg8 : memref<!tpu.dma_semaphore, #tpu.memory_space<semaphore_mem>>)
    %dma_wait3A_167 = arith.constant 0 : i32
    %dma_wait3A_168 = arith.constant 0 : i32
    %dma_wait3A_169 = arith.constant 0 : i32
    %dma_wait3A_170 = tpu.memref_slice %arg6[%dma_wait3A_167, %dma_wait3A_168, %dma_wait3A_169] : memref<3x32x1024xf32, #tpu.memory_space<vmem>> -> memref<1x32x1024xf32, #tpu.memory_space<vmem>>
    %dma_wait3A_171 = tpu.memref_squeeze %dma_wait3A_170 : memref<1x32x1024xf32, #tpu.memory_space<vmem>> -> memref<32x1024xf32, #tpu.memory_space<vmem>>
    %dma_wait3A_172 = arith.constant 960 : i32
    %dma_wait3A_173 = tpu.memref_slice %arg5[%dma_wait3A_172] : memref<1024xi32, #tpu.memory_space<vmem>> -> memref<32xi32, #tpu.memory_space<vmem>>
    %dma_wait3A_174 = arith.constant 0 : i32
    %dma_wait3A_175 = arith.constant 0 : i32
    %dma_wait3A_176 = tpu.memref_slice %arg3[%dma_wait3A_174, %dma_wait3A_175] : memref<8192x1024xf32, #tpu.memory_space<hbm>> -> memref<8192x1024xf32, #tpu.memory_space<hbm>>
    tpu.wait_indirect_dma semaphore(%arg7 : memref<!tpu.dma_semaphore, #tpu.memory_space<semaphore_mem>>) src(%dma_wait3A_176 : memref<8192x1024xf32, #tpu.memory_space<hbm>>) dst(%dma_wait3A_171 : memref<32x1024xf32, #tpu.memory_space<vmem>>)
    %add3A_177 = arith.constant 960 : i32
    %add3A_178 = arith.addi %mul3A_2, %add3A_177 : i32
    %dma_start3A_179 = arith.constant 0 : i32
    %dma_start3A_180 = arith.constant 0 : i32
    %dma_start3A_181 = arith.constant 0 : i32
    %dma_start3A_182 = tpu.memref_slice %arg6[%dma_start3A_179, %dma_start3A_180, %dma_start3A_181] : memref<3x32x1024xf32, #tpu.memory_space<vmem>> -> memref<1x32x1024xf32, #tpu.memory_space<vmem>>
    %dma_start3A_183 = tpu.memref_squeeze %dma_start3A_182 : memref<1x32x1024xf32, #tpu.memory_space<vmem>> -> memref<32x1024xf32, #tpu.memory_space<vmem>>
    %dma_start3A_184 = arith.constant 0 : i32
    %dma_start3A_185 = tpu.memref_slice %arg4[%add3A_178, %dma_start3A_184] : memref<32768x1024xf32, #tpu.memory_space<hbm>> -> memref<32x1024xf32, #tpu.memory_space<hbm>>
    %dma_start3A_186 = arith.constant 0 : i32
    %dma_start3A_187 = tpu.memref_slice %arg4[%add3A_178, %dma_start3A_186] : memref<32768x1024xf32, #tpu.memory_space<hbm>> -> memref<32x1024xf32, #tpu.memory_space<hbm>>
    %dma_start3A_188 = arith.constant 0 : i32
    %dma_start3A_189 = arith.constant 0 : i32
    %dma_start3A_190 = tpu.memref_slice %arg6[%dma_start3A_179, %dma_start3A_188, %dma_start3A_189] : memref<3x32x1024xf32, #tpu.memory_space<vmem>> -> memref<1x32x1024xf32, #tpu.memory_space<vmem>>
    %dma_start3A_191 = tpu.memref_squeeze %dma_start3A_190 : memref<1x32x1024xf32, #tpu.memory_space<vmem>> -> memref<32x1024xf32, #tpu.memory_space<vmem>>
    tpu.enqueue_dma source(%dma_start3A_191 : memref<32x1024xf32, #tpu.memory_space<vmem>>) target(%dma_start3A_187 : memref<32x1024xf32, #tpu.memory_space<hbm>>) target_semaphore(%arg10 : memref<!tpu.dma_semaphore, #tpu.memory_space<semaphore_mem>>)
    %dma_wait3A_192 = arith.constant 1 : i32
    %dma_wait3A_193 = arith.constant 0 : i32
    %dma_wait3A_194 = arith.constant 0 : i32
    %dma_wait3A_195 = tpu.memref_slice %arg6[%dma_wait3A_192, %dma_wait3A_193, %dma_wait3A_194] : memref<3x32x1024xf32, #tpu.memory_space<vmem>> -> memref<1x32x1024xf32, #tpu.memory_space<vmem>>
    %dma_wait3A_196 = tpu.memref_squeeze %dma_wait3A_195 : memref<1x32x1024xf32, #tpu.memory_space<vmem>> -> memref<32x1024xf32, #tpu.memory_space<vmem>>
    %dma_wait3A_197 = arith.constant 992 : i32
    %dma_wait3A_198 = tpu.memref_slice %arg5[%dma_wait3A_197] : memref<1024xi32, #tpu.memory_space<vmem>> -> memref<32xi32, #tpu.memory_space<vmem>>
    %dma_wait3A_199 = arith.constant 0 : i32
    %dma_wait3A_200 = arith.constant 0 : i32
    %dma_wait3A_201 = tpu.memref_slice %arg3[%dma_wait3A_199, %dma_wait3A_200] : memref<8192x1024xf32, #tpu.memory_space<hbm>> -> memref<8192x1024xf32, #tpu.memory_space<hbm>>
    tpu.wait_indirect_dma semaphore(%arg8 : memref<!tpu.dma_semaphore, #tpu.memory_space<semaphore_mem>>) src(%dma_wait3A_201 : memref<8192x1024xf32, #tpu.memory_space<hbm>>) dst(%dma_wait3A_196 : memref<32x1024xf32, #tpu.memory_space<vmem>>)
    %add3A_202 = arith.constant 992 : i32
    %add3A_203 = arith.addi %mul3A_2, %add3A_202 : i32
    %dma_start3A_204 = arith.constant 1 : i32
    %dma_start3A_205 = arith.constant 0 : i32
    %dma_start3A_206 = arith.constant 0 : i32
    %dma_start3A_207 = tpu.memref_slice %arg6[%dma_start3A_204, %dma_start3A_205, %dma_start3A_206] : memref<3x32x1024xf32, #tpu.memory_space<vmem>> -> memref<1x32x1024xf32, #tpu.memory_space<vmem>>
    %dma_start3A_208 = tpu.memref_squeeze %dma_start3A_207 : memref<1x32x1024xf32, #tpu.memory_space<vmem>> -> memref<32x1024xf32, #tpu.memory_space<vmem>>
    %dma_start3A_209 = arith.constant 0 : i32
    %dma_start3A_210 = tpu.memref_slice %arg4[%add3A_203, %dma_start3A_209] : memref<32768x1024xf32, #tpu.memory_space<hbm>> -> memref<32x1024xf32, #tpu.memory_space<hbm>>
    %dma_start3A_211 = arith.constant 0 : i32
    %dma_start3A_212 = tpu.memref_slice %arg4[%add3A_203, %dma_start3A_211] : memref<32768x1024xf32, #tpu.memory_space<hbm>> -> memref<32x1024xf32, #tpu.memory_space<hbm>>
    %dma_start3A_213 = arith.constant 0 : i32
    %dma_start3A_214 = arith.constant 0 : i32
    %dma_start3A_215 = tpu.memref_slice %arg6[%dma_start3A_204, %dma_start3A_213, %dma_start3A_214] : memref<3x32x1024xf32, #tpu.memory_space<vmem>> -> memref<1x32x1024xf32, #tpu.memory_space<vmem>>
    %dma_start3A_216 = tpu.memref_squeeze %dma_start3A_215 : memref<1x32x1024xf32, #tpu.memory_space<vmem>> -> memref<32x1024xf32, #tpu.memory_space<vmem>>
    tpu.enqueue_dma source(%dma_start3A_216 : memref<32x1024xf32, #tpu.memory_space<vmem>>) target(%dma_start3A_212 : memref<32x1024xf32, #tpu.memory_space<hbm>>) target_semaphore(%arg11 : memref<!tpu.dma_semaphore, #tpu.memory_space<semaphore_mem>>)
    %add3A_217 = arith.constant 928 : i32
    %add3A_218 = arith.addi %mul3A_2, %add3A_217 : i32
    %dma_wait3A_219 = arith.constant 2 : i32
    %dma_wait3A_220 = arith.constant 0 : i32
    %dma_wait3A_221 = arith.constant 0 : i32
    %dma_wait3A_222 = tpu.memref_slice %arg6[%dma_wait3A_219, %dma_wait3A_220, %dma_wait3A_221] : memref<3x32x1024xf32, #tpu.memory_space<vmem>> -> memref<1x32x1024xf32, #tpu.memory_space<vmem>>
    %dma_wait3A_223 = tpu.memref_squeeze %dma_wait3A_222 : memref<1x32x1024xf32, #tpu.memory_space<vmem>> -> memref<32x1024xf32, #tpu.memory_space<vmem>>
    %dma_wait3A_224 = arith.constant 0 : i32
    %dma_wait3A_225 = tpu.memref_slice %arg4[%add3A_218, %dma_wait3A_224] : memref<32768x1024xf32, #tpu.memory_space<hbm>> -> memref<32x1024xf32, #tpu.memory_space<hbm>>
    %dma_wait3A_226 = arith.constant 0 : i32
    %dma_wait3A_227 = tpu.memref_slice %arg4[%add3A_218, %dma_wait3A_226] : memref<32768x1024xf32, #tpu.memory_space<hbm>> -> memref<32x1024xf32, #tpu.memory_space<hbm>>
    %dma_wait3A_228 = arith.constant 0 : i32
    %dma_wait3A_229 = arith.constant 0 : i32
    %dma_wait3A_230 = tpu.memref_slice %arg6[%dma_wait3A_219, %dma_wait3A_228, %dma_wait3A_229] : memref<3x32x1024xf32, #tpu.memory_space<vmem>> -> memref<1x32x1024xf32, #tpu.memory_space<vmem>>
    %dma_wait3A_231 = tpu.memref_squeeze %dma_wait3A_230 : memref<1x32x1024xf32, #tpu.memory_space<vmem>> -> memref<32x1024xf32, #tpu.memory_space<vmem>>
    tpu.wait_dma2 semaphore(%arg12 : memref<!tpu.dma_semaphore, #tpu.memory_space<semaphore_mem>>) src(%dma_wait3A_231 : memref<32x1024xf32, #tpu.memory_space<vmem>>) dst(%dma_wait3A_227 : memref<32x1024xf32, #tpu.memory_space<hbm>>)
    %add3A_232 = arith.constant 960 : i32
    %add3A_233 = arith.addi %mul3A_2, %add3A_232 : i32
    %dma_wait3A_234 = arith.constant 0 : i32
    %dma_wait3A_235 = arith.constant 0 : i32
    %dma_wait3A_236 = arith.constant 0 : i32
    %dma_wait3A_237 = tpu.memref_slice %arg6[%dma_wait3A_234, %dma_wait3A_235, %dma_wait3A_236] : memref<3x32x1024xf32, #tpu.memory_space<vmem>> -> memref<1x32x1024xf32, #tpu.memory_space<vmem>>
    %dma_wait3A_238 = tpu.memref_squeeze %dma_wait3A_237 : memref<1x32x1024xf32, #tpu.memory_space<vmem>> -> memref<32x1024xf32, #tpu.memory_space<vmem>>
    %dma_wait3A_239 = arith.constant 0 : i32
    %dma_wait3A_240 = tpu.memref_slice %arg4[%add3A_233, %dma_wait3A_239] : memref<32768x1024xf32, #tpu.memory_space<hbm>> -> memref<32x1024xf32, #tpu.memory_space<hbm>>
    %dma_wait3A_241 = arith.constant 0 : i32
    %dma_wait3A_242 = tpu.memref_slice %arg4[%add3A_233, %dma_wait3A_241] : memref<32768x1024xf32, #tpu.memory_space<hbm>> -> memref<32x1024xf32, #tpu.memory_space<hbm>>
    %dma_wait3A_243 = arith.constant 0 : i32
    %dma_wait3A_244 = arith.constant 0 : i32
    %dma_wait3A_245 = tpu.memref_slice %arg6[%dma_wait3A_234, %dma_wait3A_243, %dma_wait3A_244] : memref<3x32x1024xf32, #tpu.memory_space<vmem>> -> memref<1x32x1024xf32, #tpu.memory_space<vmem>>
    %dma_wait3A_246 = tpu.memref_squeeze %dma_wait3A_245 : memref<1x32x1024xf32, #tpu.memory_space<vmem>> -> memref<32x1024xf32, #tpu.memory_space<vmem>>
    tpu.wait_dma2 semaphore(%arg10 : memref<!tpu.dma_semaphore, #tpu.memory_space<semaphore_mem>>) src(%dma_wait3A_246 : memref<32x1024xf32, #tpu.memory_space<vmem>>) dst(%dma_wait3A_242 : memref<32x1024xf32, #tpu.memory_space<hbm>>)
    %add3A_247 = arith.constant 992 : i32
    %add3A_248 = arith.addi %mul3A_2, %add3A_247 : i32
    %dma_wait3A_249 = arith.constant 1 : i32
    %dma_wait3A_250 = arith.constant 0 : i32
    %dma_wait3A_251 = arith.constant 0 : i32
    %dma_wait3A_252 = tpu.memref_slice %arg6[%dma_wait3A_249, %dma_wait3A_250, %dma_wait3A_251] : memref<3x32x1024xf32, #tpu.memory_space<vmem>> -> memref<1x32x1024xf32, #tpu.memory_space<vmem>>
    %dma_wait3A_253 = tpu.memref_squeeze %dma_wait3A_252 : memref<1x32x1024xf32, #tpu.memory_space<vmem>> -> memref<32x1024xf32, #tpu.memory_space<vmem>>
    %dma_wait3A_254 = arith.constant 0 : i32
    %dma_wait3A_255 = tpu.memref_slice %arg4[%add3A_248, %dma_wait3A_254] : memref<32768x1024xf32, #tpu.memory_space<hbm>> -> memref<32x1024xf32, #tpu.memory_space<hbm>>
    %dma_wait3A_256 = arith.constant 0 : i32
    %dma_wait3A_257 = tpu.memref_slice %arg4[%add3A_248, %dma_wait3A_256] : memref<32768x1024xf32, #tpu.memory_space<hbm>> -> memref<32x1024xf32, #tpu.memory_space<hbm>>
    %dma_wait3A_258 = arith.constant 0 : i32
    %dma_wait3A_259 = arith.constant 0 : i32
    %dma_wait3A_260 = tpu.memref_slice %arg6[%dma_wait3A_249, %dma_wait3A_258, %dma_wait3A_259] : memref<3x32x1024xf32, #tpu.memory_space<vmem>> -> memref<1x32x1024xf32, #tpu.memory_space<vmem>>
    %dma_wait3A_261 = tpu.memref_squeeze %dma_wait3A_260 : memref<1x32x1024xf32, #tpu.memory_space<vmem>> -> memref<32x1024xf32, #tpu.memory_space<vmem>>
    tpu.wait_dma2 semaphore(%arg11 : memref<!tpu.dma_semaphore, #tpu.memory_space<semaphore_mem>>) src(%dma_wait3A_261 : memref<32x1024xf32, #tpu.memory_space<vmem>>) dst(%dma_wait3A_257 : memref<32x1024xf32, #tpu.memory_space<hbm>>)
    return
  }
}

</mosaic_0001>

<sc_bundles>
// kernel: kernel.3.cloned.1.call-start
scs
__scs_entry_jumppad:
0x0: {  	(pc) =	sbr.rel $0x88, $3  }
0x1: {  	(tag) =	ssettag $0x0;
	lr =	simm.s32 $0x1  }
0x2: {  	[smem:$0x3F9F] =	sst lr;
	_ =	strace $0xD0000000  }
0x3: {  	_ = 	snop  }
0x4: {  	_ = 	snop  }
0x5: {  	_ = 	snop  }
0x6: {  	_ = 	snop  }
0x7: {  	_ = 	snop  }
__scs_overlays_trampoline_lowered:
0x8: {  	[smem:$0x3FAE] =	sst s0  }
0x9: {  	[smem:$0x3FAF] =	sst s1  }
0xa: {  	[smem:$0x3FB0] =	sst s2  }
0xb: {  	[smem:$0x3FB1] =	sst s3  }
0xc: {  	[smem:$0x3FB2] =	sst s4  }
0xd: {  	[smem:$0x3FB3] =	sst s5  }
0xe: {  	[smem:$0x3FB4] =	sst s6  }
0xf: {  	[smem:$0x3FB5] =	sst s7  }
0x10: {  	[smem:$0x3FB6] =	sst s8  }
0x11: {  	[smem:$0x3FB7] =	sst s9;
	s0 =	simm.s32 @!p0 $0x0  }
0x12: {  	s1 =	sld [smem:$0x3F9D];
	s0 =	simm.s32 @p0 $0x1  }
0x13: {  	[smem:$0x3FB8] =	sst s0;
	s0 =	simm.s32 @!p1 $0x0  }
0x14: {  	s2 =	sld [smem:$0x3F9C];
	s0 =	simm.s32 @p1 $0x1  }
0x15: {  	[smem:$0x3FB9] =	sst s0;
	s0 =	simm.s32 @!p2 $0x0  }
0x16: {  	s3 =	sld [smem:$0x3FDB];
	s0 =	simm.s32 @p2 $0x1  }
0x17: {  	s4 =	simm.s32 $0x1BF5;
	[smem:$0x3FBB] =	sst s0  }
0x18: {  	s0 =	sld [smem:$0x3F9E];
	_ =	swait.ge [sflag:s4], $0x0  }
0x19: {  	s7 =	sld [smem:$0x3F9F]  }
0x1a: {  	s8 =	sadd.s32 $0xFFFFE003, lr  }
0x1b: {  	s9 =	sadd.s32 $0xFFFFFEF7, lr;
	s5 =	simm.s32 $0xFFFFFFFF;
	p2 =	slt.u32 s8, $0xFFFFF086  }
0x1c: {  	p1 =	slt.u32 s9, $0xF7A;
	s5 =	simm.s32 @!p2 $0x0  }
0x1d: {  	s5 =	simm.s32 @p1 $0x1;
	p0 =	seq.s32 s7, s2  }
0x1e: {  	s7 =	smul.u32 @!p0 $0xF7A, s2;
	p2 =	seq.s32 @!p0 s5, $0x0  }
0x1f: {  	s9 =	smul.u32 $0xF7A, s1;
	s8 =	simm.s32 @!p0 $0x1BF5;
	p2 =	por !p2, p0  }
0x20: {  	[sflag:s8] =	ssyncset.s32 @!p0 $0xFFFFF086;
	s6 =	sadd.s32 @!p0 s3, s7;
	s7 =	simm.s32 @!p0 $0x108  }
0x21: {  	s3 =	sadd.s32 s3, s9;
	s6 =	sadd.s32 @!p0 $0x88, s6;
	s7 =	simm.s32 @p2 $0x1082  }
0x22: {  	[simem:s7], [sflag:s8] =	dma.local @!p0 [hbm:s6], $0xF7A  }
0x23: {  	s9 =	sor.u32 $0xD0000000, s2;
	s6 =	simm.s32 $0x108;
	_ =	swait.ge @!p0 [sflag:s8], $0x0  }
0x24: {  	s3 =	sadd.s32 $0x88, s3;
	s6 =	simm.s32 @!p1 $0x1082;
	[sflag:s4] =	ssyncset.s32 $0xFFFFF086  }
0x25: {  	[simem:s6], [sflag:s4] =	dma.local [hbm:s3], $0xF7A  }
0x26: {  	[smem:$0x3F9F] =	sst s1;
	(tag) =	ssettag s2;
	_ =	strace s9  }
0x27: {  	s1 =	sld [smem:$0x3FAF]  }
0x28: {  	s2 =	sld [smem:$0x3FB0]  }
0x29: {  	s4 =	sld [smem:$0x3FB2]  }
0x2a: {  	p0 =	seq.s32 s5, $0x0;
	s5 =	sld [smem:$0x3FB3]  }
0x2b: {  	s6 =	sld [smem:$0x3FB4]  }
0x2c: {  	s7 =	sld [smem:$0x3FB5]  }
0x2d: {  	s3 =	simm.s32 $0x108;
	s8 =	sld [smem:$0x3FB6]  }
0x2e: {  	s3 =	simm.s32 @!p0 $0x1082;
	s9 =	sld [smem:$0x3FB7]  }
0x2f: {  	lr =	sadd.s32 s0, s3;
	s0 =	sld [smem:$0x3FAE]  }
0x30: {  	s3 =	sld [smem:$0x3FB1]  }
0x31: {  	[smem:$0x3FBA] =	sst s10  }
0x32: {  	s10 =	sld [smem:$0x3FB8];
	_ =	sdelay $0x3  }
0x33: {  	p0 =	seq.s32 s10, $0x1;
	s10 =	sld [smem:$0x3FBA];
	_ =	sdelay $0x3  }
0x34: {  	[smem:$0x3FBA] =	sst s10  }
0x35: {  	s10 =	sld [smem:$0x3FB9];
	_ =	sdelay $0x3  }
0x36: {  	p1 =	seq.s32 s10, $0x1;
	s10 =	sld [smem:$0x3FBA];
	_ =	sdelay $0x3  }
0x37: {  	[smem:$0x3FBA] =	sst s10  }
0x38: {  	s10 =	sld [smem:$0x3FBB]  }
0x39: {  	_ = 	snop;
	(pc) =	sbr.ind lr, $3  }
0x3a: {  	_ = 	snop  }
0x3b: {  	_ = 	snop  }
0x3c: {  	p2 =	seq.s32 s10, $0x1;
	s10 =	sld [smem:$0x3FBA]  }
0x3d: {  	_ =	shalt  }
0x3e: {  	_ =	shalt  }
0x3f: {  	_ =	shalt  }
0x40: {  	_ =	shalt  }
0x41: {  	_ =	shalt  }
0x42: {  	_ =	shalt  }
0x43: {  	_ =	shalt  }
0x44: {  	_ =	shalt  }
0x45: {  	_ =	shalt  }
0x46: {  	_ =	shalt  }
0x47: {  	_ =	shalt  }
0x48: {  	_ =	shalt  }
0x49: {  	_ =	shalt  }
0x4a: {  	_ =	shalt  }
0x4b: {  	_ =	shalt  }
0x4c: {  	_ =	shalt  }
0x4d: {  	_ =	shalt  }
0x4e: {  	_ =	shalt  }
0x4f: {  	_ =	shalt  }
0x50: {  	_ =	shalt  }
0x51: {  	_ =	shalt  }
0x52: {  	_ =	shalt  }
0x53: {  	_ =	shalt  }
0x54: {  	_ =	shalt  }
0x55: {  	_ =	shalt  }
0x56: {  	_ =	shalt  }
0x57: {  	_ =	shalt  }
0x58: {  	_ =	shalt  }
0x59: {  	_ =	shalt  }
0x5a: {  	_ =	shalt  }
0x5b: {  	_ =	shalt  }
0x5c: {  	_ =	shalt  }
0x5d: {  	_ =	shalt  }
0x5e: {  	_ =	shalt  }
0x5f: {  	_ =	shalt  }
0x60: {  	_ =	shalt  }
0x61: {  	_ =	shalt  }
0x62: {  	_ =	shalt  }
0x63: {  	_ =	shalt  }
0x64: {  	_ =	shalt  }
0x65: {  	_ =	shalt  }
0x66: {  	_ =	shalt  }
0x67: {  	_ =	shalt  }
0x68: {  	_ =	shalt  }
0x69: {  	_ =	shalt  }
0x6a: {  	_ =	shalt  }
0x6b: {  	_ =	shalt  }
0x6c: {  	_ =	shalt  }
0x6d: {  	_ =	shalt  }
0x6e: {  	_ =	shalt  }
0x6f: {  	_ =	shalt  }
0x70: {  	_ =	shalt  }
0x71: {  	_ =	shalt  }
0x72: {  	_ =	shalt  }
0x73: {  	_ =	shalt  }
0x74: {  	_ =	shalt  }
0x75: {  	_ =	shalt  }
0x76: {  	_ =	shalt  }
0x77: {  	_ =	shalt  }
0x78: {  	_ =	shalt  }
0x79: {  	_ =	shalt  }
0x7a: {  	_ =	shalt  }
0x7b: {  	_ =	shalt  }
0x7c: {  	_ =	shalt  }
0x7d: {  	_ =	shalt  }
0x7e: {  	_ =	shalt  }
0x7f: {  	_ =	shalt  }
0x80: {  	_ =	shalt  }
0x81: {  	_ =	shalt  }
0x82: {  	_ =	shalt  }
0x83: {  	_ =	shalt  }
0x84: {  	_ =	shalt  }
0x85: {  	_ =	shalt  }
0x86: {  	_ =	shalt  }
0x87: {  	_ =	shalt  }
.Lfunc_end0:
.L_simem_size_0:
called_computation_lowered:
.L_overlay_start_0:
0x88: {  	s2 =	sld [smem:$0x3FD9]  }
0x89: {  	s3 =	sld [smem:$0x3FFE];
	_ =	sdelay $0x1  }
0x8a: {  	s1 =	srdreg.scid  }
0x8b: {  	s0 =	sand.u32 $0x1, s1  }
0x8c: {  	s17 =	sshll.u32 s0, $0xA;
	s2 =	sadd.s32 s3, s2  }
0x8d: {  	s2 =	sadd.s32 s2, s17  }
0x8e: {  	[smem:$0x3FC6] =	sst s2  }
0x8f: {  	_ = 	snop  }
0x90: {  	s2 =	sld [smem:$0x3FC8]  }
0x91: {  	s18 =	sld [smem:$0x3FD0];
	(tm) =	ssettm $0x1  }
0x92: {  	s4 =	sld [smem:$0x3FFB];
	_ =	sdelay $0x3  }
0x93: {  	_ =	strace s4  }
0x94: {  	s4 =	sld [smem:$0x3FFC];
	_ =	sdelay $0x3  }
0x95: {  	_ =	strace s4  }
0x96: {  	s4 =	sld [smem:$0x3FFD];
	_ =	sdelay $0x3  }
0x97: {  	_ =	strace s4  }
0x98: {  	_ =	strace $0x8FFFFFFF  }
0x99: {  	s19 =	sld [smem:$0x3FDB];
	_ =	sdelay $0x1  }
0x9a: {  	s5 =	simm.s32 $_scs_section_size  }
0x9b: {  	s6 =	simm.s32 $_size__tile_overlayer_lowered;
	s7 =	simm.s32 $_tile_overlayer_lowered  }
0x9c: {  	s22 =	simm.s32 $0x1BFF;
	s21 =	sshll.u32 s7, $0x1;
	s4 =	sadd.s32 s5, s19  }
0x9d: {  	s8 =	simm.s32 $0x0;
	s20 =	sshll.u32 s6, $0x1;
	s6 =	sadd.s32 s21, s4  }
0x9e: {  	[timem:s8], [sflag:s22] =	dma.local [hbm:s6], s20  }
0x9f: {  	_ =	swait.ge [sflag:s22], s20  }
0xa0: {  	s5 =	ssub.s32 $0x0, s20;
	[sflag:s22] =	ssyncset.done $0x0  }
0xa1: {  	[sflag:s22] =	ssyncadd.s32 s5;
	_ =	sdelay $0x1  }
0xa2: {  	s23 =	simm.s32 $0x1B8B  }
0xa3: {  	_ =	swait.ge [sflag:s23], $0x1  }
0xa4: {  	[sflag:s23] =	ssyncset.done $0x0  }
0xa5: {  	s25 =	simm.s32 $0x1B8E;
	s24 =	sld [smem:$0x3FFE];
	[sflag:s23] =	ssyncadd.s32 $0xFFFFFFFF  }
0xa6: {  	s26 =	simm.s32 $execute0_lowered;
	[smem:$0x3FD2] =	sst s25  }
0xa7: {  	s6 =	sshll.u32 s26, $0x1;
	_ =	strace $0x80000046;
	[dreg:$0x1] =	wrdreg $0xFFFFFFFF  }
0xa8: {  	s28 =	simm.s32 $_size_execute0_lowered;
	s4 =	sadd.s32 s4, s6;
	[dreg:$0x0] =	wrdreg $0x0  }
0xa9: {  	s6 =	sshll.u32 s28, $0x1;
	[dreg:$0x2] =	wrdreg s4  }
0xaa: {  	[dreg:$0x3] =	wrdreg s6  }
0xab: {  	[dreg:$0x4] =	wrdreg $0xC0  }
0xac: {  	_ =	task [dreg:s8], $0x5FFFF  }
0xad: {  	[dreg:$0x1] =	wrdreg $0xFFFFFFFF  }
0xae: {  	[dreg:$0x0] =	wrdreg $0x60  }
0xaf: {  	[dreg:$0x2] =	wrdreg s24  }
0xb0: {  	[dreg:$0x3] =	wrdreg s2  }
0xb1: {  	[dreg:$0x4] =	wrdreg s18  }
0xb2: {  	[dreg:$0x5] =	wrdreg $0x9  }
0xb3: {  	_ =	task.clear_ibuf [dreg:s8], $0x6FFFF;
	_ =	strace $0x90000046  }
0xb4: {  	s29 =	simm.s32 $0x9;
	_ =	strace $0x80000048  }
0xb5: {  	_ =	swait.ge [sflag:s29], $0x1  }
0xb6: {  	[sflag:s29] =	ssyncadd.s32 $0xFFFFFFFF  }
0xb7: {  	_ =	strace $0x90000048  }
0xb8: {  	_ =	sfence  }
0xb9: {  	s30 =	sld [smem:$0x0];
	_ =	sdelay $0x2  }
0xba: {  	s31 =	sshll.u32 s1, $0xD;
	s1 =	sshrl.u32 s1, $0x2  }
0xbb: {  	s3 =	sand.u32 $0x4000, s31;
	s1 =	sadd.s32 s1, s30  }
0xbc: {  	s0 =	sor.u32 s3, s0;
	s1 =	sshll.u32 s1, $0x11  }
0xbd: {  	s0 =	sor.u32 s1, s0  }
0xbe: {  	s0 =	sadd.s32 $0x8F2B, s0  }
0xbf: {  	[sflag:s0] =	ssyncadd.remote.s32 $0x1  }
0xc0: {  	_ =	sfence.sel $0xFFFF  }
0xc1: {  	[dreg:$0x0] =	wrdreg $0xFFFFFFFF;
	(pc) =	sbr.abs _section_cstart, $3  }
0xc2: {  	[dreg:$0x1] =	wrdreg $0xFFFFFFFF  }
0xc3: {  	_ =	task.clear_ibuf [dreg:s8], $0x2FFFF;
	_ =	strace $0x9FFFFFFF  }
0xc4: {  	(tm) =	ssettm $0x7FFFFFFF  }
0xc5: {  	_ =	shalt  }
tec
execute0_lowered:
.L_overlay_start_1:
0x0: {  	(tag) =	ssettag $0x1  }
0x1: {  	s0 =	rddreg [dreg:$0x0]  }
0x2: {  	s2 =	rddreg [dreg:$0x1];
	s1 =	srdreg.scid  }
0x3: {  	s4 =	rddreg [dreg:$0x2];
	s9 =	stileid.u32  }
0x4: {  	s3 =	simm.s32 $0x0;
	s17 =	simm.s32 $0xC00;
	s18 =	simm.s32 $0x1400  }
0x5: {  	s19 =	simm.s32 $0x2400;
	s11 =	simm.s32 $0x5C00;
	s12 =	simm.s32 $0x6C00  }
0x6: {  	s15 =	simm.s32 $0x7400;
	s30 =	simm.s32 $0x7C00;
	s31 =	simm.s32 $0x8C00  }
0x7: {  	s13 =	simm.s32 $0x2;
	s28 =	simm.s32 $0x5;
	s14 =	simm.s32 $0x6  }
0x8: {  	s29 =	simm.s32 $0x0;
	s1 =	sand.u32 $0x1, s1;
	s5 =	sshll.u32 s9, $0xB  }
0x9: {  	[smem:$0x7FF] =	sst s3;
	s23 =	sshll.u32 s9, $0x12;
	s9 =	simm.s32 $0x3C00  }
0xa: {  	s6 =	sshll.u32 s1, $0xA;
	s20 =	ssub.s32 $0x2, s1;
	_ =	strace $0x80000047  }
0xb: {  	s1 =	sshll.u32 s1, $0x11;
	s6 =	sor.u32 s6, s5;
	s8 =	sshrl.u32 s20, $0x1  }
0xc: {  	s5 =	sadd.s32 $0x100, s2;
	s7 =	sshrl.u32 s6, $0x3;
	s21 =	sshll.u32 s6, $0x7  }
0xd: {  	s8 =	ssub.s32 s20, s8;
	s6 =	sadd.s32 $0x200, s2;
	s10 =	sadd.s32 s4, s21  }
0xe: {  	s0 =	sadd.s32 s7, s0;
	s26 =	smax.u32 s8, $0x1;
	[dreg:$0x6] =	wrdreg s10  }
0xf: {  	s20 =	simm.s32 $0x3400;
	s0 =	sadd.s32 $0x400, s0;
	[dreg:$0xb] =	wrdreg s26  }
0x10: {  	s7 =	sadd.s32 $0x300, s2;
	s22 =	sadd.s32 $0x1D000, s10;
	[dreg:$0x5] =	wrdreg s0  }
0x11: {  	s21 =	simm.s32 $0x4400;
	s24 =	sadd.s32 $0x1E000, s10;
	[dreg:$0x8] =	wrdreg s22  }
0x12: {  	s8 =	simm.s32 $0x3;
	s25 =	sadd.s32 $0x1F000, s10;
	[dreg:$0x9] =	wrdreg s24  }
0x13: {  	s26 =	simm.s32 $0x4;
	s0 =	sadd.s32 $0x1C000, s10;
	[dreg:$0xa] =	wrdreg s25  }
0x14: {  	s10 =	simm.s32 $0x4C00;
	s24 =	simm.s32 $0x5400;
	s25 =	simm.s32 $0x6400  }
0x15: {  	v2 =	vlaneseq.u32;
	s22 =	simm.s32 $0x1;
	[dreg:$0x7] =	wrdreg s0;
	s0 =	sadd.s32 s23, s4  }
0x16: {  	vm0 =	vmmov $0xffff;
	v1 =	vshrl.u32 v2, $0x3;
	s4 =	simm.s32 $0x2C00;
	s23 =	simm.s32 $0x8400;
	s0 =	sadd.s32 s1, s0  }
0x17: {  	v0 =	vand.u32 $0x7, v2;
	v2 =	vor.u32 $0x8, v2;
	v1 =	vmul.u32 $0x8, v1;
	s1 =	simm.s32 $0x1C00;
	[dreg:$0x4] =	wrdreg s0;
	s0 =	simm.s32 $0x400  }
.LBB2_1:
0x18: {  	s16 =	rddreg [dreg:$0x5]  }
0x19: {  	[tilespmem:s3], [sflag:$0x7] =	stream.linear.gather [hbm4b:s16+s3], $0x400, $0x38;
	[tilespmem:$0x18400] =	vst v63  }
0x1a: {  	[dreg:$0xc] =	wrdreg s29;
	s16 =	simm.s32 $0x7  }
0x1b: {  	_ =	swait.ge [sflag:s16], $0x400  }
0x1c: {  	[sflag:s16] =	ssyncset.done $0x0  }
0x1d: {  	s29 =	simm.s32 $0x40;
	[sflag:s16] =	ssyncadd.s32 $0xFFFFFC00;
	s16 =	simm.s32 $0x0  }
.LBB2_2:
0x1e: {  	p0 =	sne.s32 s29, $0xFC0;
	v3 =	vld [tilespmem:s16+$0x0];
	_ =	sdelay $0x3  }
.Ltmp0:
0x1f: {  	(pc) =	sbr.rel @p0 .LBB2_2-.Ltmp0, $4  }
0x20: {  	vm1 =	vgt.s32 v3, $0x0  }
0x21: {  	v3 =	vnsel vm1, $0x0, v3  }
0x22: {  	v3 =	vmin.u32 v3, $0x1FFF  }
0x23: {  	[tilespmem:s16+$0x0] =	vst v3;
	s16 =	sshra.s32 s29, $0x2;
	s29 =	sadd.s32 $0x40, s29  }
0x24: {  	v3 =	vld [tilespmem:s16+$0x0];
	_ =	sdelay $0x4  }
0x25: {  	vm1 =	vgt.s32 v3, $0x0  }
0x26: {  	v3 =	vnsel vm1, $0x0, v3  }
0x27: {  	v3 =	vmin.u32 v3, $0x1FFF  }
0x28: {  	[tilespmem:s16+$0x0] =	vst v3  }
0x29: {  	v3 =	vld [tilespmem:$0x0];
	_ =	sdelay $0x4  }
0x2a: {  	v4 =	vshll.u32 v3, $0x3  }
0x2b: {  	v3 =	vand.u32 $0x7, v3;
	v4 =	vand.u32 $0xFFFFFFC0, v4  }
0x2c: {  	v3 =	vor.u32 v3, v4  }
0x2d: {  	v4 =	vperm.xlane v3, v0;
	_ =	sdelay $0x1  }
0x2e: {  	v4 =	vadd.s32 v1, v4;
	_ =	sdelay $0x3  }
0x2f: {  	s29 =	simm.s32 $0x0  }
0x30: {  	[tilespmem:s0], [sflag:$0x1] =	stream.indirect_vreg.gather [hbm4b:s2+s29], $0x80, v4, vm0, $0xb8;
	[tilespmem:$0x18400] =	vst v63  }
0x31: {  	v3 =	vperm.xlane v3, v2  }
0x32: {  	[tilespmem:s17], [sflag:$0x1] =	stream.indirect_vreg.gather [hbm4b:s5+s29], $0x80, v4, vm0, $0xb8;
	[tilespmem:$0x18400] =	vst v63  }
0x33: {  	v3 =	vadd.s32 v1, v3  }
0x34: {  	[tilespmem:s18], [sflag:$0x1] =	stream.indirect_vreg.gather [hbm4b:s6+s29], $0x80, v4, vm0, $0xb8;
	[tilespmem:$0x18400] =	vst v63  }
0x35: {  	_ = 	snop  }
0x36: {  	[tilespmem:s1], [sflag:$0x1] =	stream.indirect_vreg.gather [hbm4b:s7+s29], $0x80, v4, vm0, $0xb8;
	[tilespmem:$0x18400] =	vst v63  }
0x37: {  	_ = 	snop  }
0x38: {  	[tilespmem:s19], [sflag:$0x1] =	stream.indirect_vreg.gather [hbm4b:s2+s29], $0x80, v3, vm0, $0xb8;
	[tilespmem:$0x18400] =	vst v63  }
0x39: {  	_ = 	snop  }
0x3a: {  	[tilespmem:s4], [sflag:$0x1] =	stream.indirect_vreg.gather [hbm4b:s5+s29], $0x80, v3, vm0, $0xb8;
	[tilespmem:$0x18400] =	vst v63  }
0x3b: {  	_ = 	snop  }
0x3c: {  	[tilespmem:s20], [sflag:$0x1] =	stream.indirect_vreg.gather [hbm4b:s6+s29], $0x80, v3, vm0, $0xb8;
	[tilespmem:$0x18400] =	vst v63  }
0x3d: {  	_ = 	snop  }
0x3e: {  	[tilespmem:s9], [sflag:$0x1] =	stream.indirect_vreg.gather [hbm4b:s7+s29], $0x80, v3, vm0, $0xb8;
	[tilespmem:$0x18400] =	vst v63  }
0x3f: {  	v3 =	vld [tilespmem:$0x10];
	_ =	sdelay $0x4  }
0x40: {  	v59 =	vshll.u32 v3, $0x3  }
0x41: {  	v3 =	vand.u32 $0x7, v3;
	v4 =	vand.u32 $0xFFFFFFC0, v59  }
0x42: {  	v3 =	vor.u32 v3, v4  }
0x43: {  	v4 =	vperm.xlane v3, v0;
	_ =	sdelay $0x1  }
0x44: {  	v4 =	vadd.s32 v1, v4;
	_ =	sdelay $0x4  }
0x45: {  	[tilespmem:s21], [sflag:$0x1] =	stream.indirect_vreg.gather [hbm4b:s2+s29], $0x80, v4, vm0, $0xb8;
	[tilespmem:$0x18400] =	vst v63  }
0x46: {  	v3 =	vperm.xlane v3, v2  }
0x47: {  	[tilespmem:s10], [sflag:$0x1] =	stream.indirect_vreg.gather [hbm4b:s5+s29], $0x80, v4, vm0, $0xb8;
	[tilespmem:$0x18400] =	vst v63  }
0x48: {  	v3 =	vadd.s32 v1, v3  }
0x49: {  	[tilespmem:s24], [sflag:$0x1] =	stream.indirect_vreg.gather [hbm4b:s6+s29], $0x80, v4, vm0, $0xb8;
	[tilespmem:$0x18400] =	vst v63  }
0x4a: {  	_ = 	snop  }
0x4b: {  	[tilespmem:s11], [sflag:$0x1] =	stream.indirect_vreg.gather [hbm4b:s7+s29], $0x80, v4, vm0, $0xb8;
	[tilespmem:$0x18400] =	vst v63  }
0x4c: {  	_ = 	snop  }
0x4d: {  	[tilespmem:s25], [sflag:$0x1] =	stream.indirect_vreg.gather [hbm4b:s2+s29], $0x80, v3, vm0, $0xb8;
	[tilespmem:$0x18400] =	vst v63  }
0x4e: {  	_ = 	snop  }
0x4f: {  	[tilespmem:s12], [sflag:$0x1] =	stream.indirect_vreg.gather [hbm4b:s5+s29], $0x80, v3, vm0, $0xb8;
	[tilespmem:$0x18400] =	vst v63  }
0x50: {  	_ = 	snop  }
0x51: {  	[tilespmem:s15], [sflag:$0x1] =	stream.indirect_vreg.gather [hbm4b:s6+s29], $0x80, v3, vm0, $0xb8;
	[tilespmem:$0x18400] =	vst v63  }
0x52: {  	_ = 	snop  }
0x53: {  	[tilespmem:s30], [sflag:$0x1] =	stream.indirect_vreg.gather [hbm4b:s7+s29], $0x80, v3, vm0, $0xb8;
	[tilespmem:$0x18400] =	vst v63  }
0x54: {  	v3 =	vld [tilespmem:$0x20];
	_ =	sdelay $0x4  }
0x55: {  	v60 =	vshll.u32 v3, $0x3  }
0x56: {  	v3 =	vand.u32 $0x7, v3;
	v4 =	vand.u32 $0xFFFFFFC0, v60  }
0x57: {  	v3 =	vor.u32 v3, v4  }
0x58: {  	v4 =	vperm.xlane v3, v0;
	_ =	sdelay $0x1  }
0x59: {  	v4 =	vadd.s32 v1, v4;
	_ =	sdelay $0x4  }
0x5a: {  	[tilespmem:s23], [sflag:$0x2] =	stream.indirect_vreg.gather [hbm4b:s2+s29], $0x80, v4, vm0, $0xb8;
	[tilespmem:$0x18400] =	vst v63  }
0x5b: {  	v3 =	vperm.xlane v3, v2  }
0x5c: {  	[tilespmem:s31], [sflag:$0x2] =	stream.indirect_vreg.gather [hbm4b:s5+s29], $0x80, v4, vm0, $0xb8;
	[tilespmem:$0x18400] =	vst v63  }
0x5d: {  	v3 =	vadd.s32 v1, v3;
	s23 =	simm.s32 $0x9400  }
0x5e: {  	[tilespmem:s23], [sflag:$0x2] =	stream.indirect_vreg.gather [hbm4b:s6+s29], $0x80, v4, vm0, $0xb8;
	[tilespmem:$0x18400] =	vst v63  }
0x5f: {  	s24 =	simm.s32 $0x9C00  }
0x60: {  	[tilespmem:s24], [sflag:$0x2] =	stream.indirect_vreg.gather [hbm4b:s7+s29], $0x80, v4, vm0, $0xb8;
	[tilespmem:$0x18400] =	vst v63  }
0x61: {  	s25 =	simm.s32 $0xA400  }
0x62: {  	[tilespmem:s25], [sflag:$0x2] =	stream.indirect_vreg.gather [hbm4b:s2+s29], $0x80, v3, vm0, $0xb8;
	[tilespmem:$0x18400] =	vst v63  }
0x63: {  	s30 =	simm.s32 $0xAC00  }
0x64: {  	[tilespmem:s30], [sflag:$0x2] =	stream.indirect_vreg.gather [hbm4b:s5+s29], $0x80, v3, vm0, $0xb8;
	[tilespmem:$0x18400] =	vst v63  }
0x65: {  	s4 =	simm.s32 $0xB400  }
0x66: {  	[tilespmem:s4], [sflag:$0x2] =	stream.indirect_vreg.gather [hbm4b:s6+s29], $0x80, v3, vm0, $0xb8;
	[tilespmem:$0x18400] =	vst v63  }
0x67: {  	s9 =	simm.s32 $0xBC00  }
0x68: {  	[tilespmem:s9], [sflag:$0x2] =	stream.indirect_vreg.gather [hbm4b:s7+s29], $0x80, v3, vm0, $0xb8;
	[tilespmem:$0x18400] =	vst v63  }
0x69: {  	v3 =	vld [tilespmem:$0x30];
	_ =	sdelay $0x4  }
0x6a: {  	v61 =	vshll.u32 v3, $0x3  }
0x6b: {  	v3 =	vand.u32 $0x7, v3;
	v4 =	vand.u32 $0xFFFFFFC0, v61  }
0x6c: {  	v3 =	vor.u32 v3, v4  }
0x6d: {  	v4 =	vperm.xlane v3, v0;
	_ =	sdelay $0x1  }
0x6e: {  	v4 =	vadd.s32 v1, v4;
	_ =	sdelay $0x3  }
0x6f: {  	s10 =	simm.s32 $0xC400  }
0x70: {  	[tilespmem:s10], [sflag:$0x2] =	stream.indirect_vreg.gather [hbm4b:s2+s29], $0x80, v4, vm0, $0xb8;
	[tilespmem:$0x18400] =	vst v63  }
0x71: {  	s11 =	simm.s32 $0xCC00;
	v3 =	vperm.xlane v3, v2  }
0x72: {  	[tilespmem:s11], [sflag:$0x2] =	stream.indirect_vreg.gather [hbm4b:s5+s29], $0x80, v4, vm0, $0xb8;
	[tilespmem:$0x18400] =	vst v63  }
0x73: {  	s12 =	simm.s32 $0xD400;
	v3 =	vadd.s32 v1, v3  }
0x74: {  	[tilespmem:s12], [sflag:$0x2] =	stream.indirect_vreg.gather [hbm4b:s6+s29], $0x80, v4, vm0, $0xb8;
	[tilespmem:$0x18400] =	vst v63  }
0x75: {  	s15 =	simm.s32 $0xDC00  }
0x76: {  	[tilespmem:s15], [sflag:$0x2] =	stream.indirect_vreg.gather [hbm4b:s7+s29], $0x80, v4, vm0, $0xb8;
	[tilespmem:$0x18400] =	vst v63  }
0x77: {  	s16 =	simm.s32 $0xE400  }
0x78: {  	[tilespmem:s16], [sflag:$0x2] =	stream.indirect_vreg.gather [hbm4b:s2+s29], $0x80, v3, vm0, $0xb8;
	[tilespmem:$0x18400] =	vst v63  }
0x79: {  	s17 =	simm.s32 $0xEC00  }
0x7a: {  	[tilespmem:s17], [sflag:$0x2] =	stream.indirect_vreg.gather [hbm4b:s5+s29], $0x80, v3, vm0, $0xb8;
	[tilespmem:$0x18400] =	vst v63  }
0x7b: {  	s18 =	simm.s32 $0xF400  }
0x7c: {  	[tilespmem:s18], [sflag:$0x2] =	stream.indirect_vreg.gather [hbm4b:s6+s29], $0x80, v3, vm0, $0xb8;
	[tilespmem:$0x18400] =	vst v63  }
0x7d: {  	s19 =	simm.s32 $0xFC00  }
0x7e: {  	[tilespmem:s19], [sflag:$0x2] =	stream.indirect_vreg.gather [hbm4b:s7+s29], $0x80, v3, vm0, $0xb8;
	[tilespmem:$0x18400] =	vst v63  }
0x7f: {  	_ =	swait.ge [sflag:s22], $0x8000  }
0x80: {  	[sflag:s22] =	ssyncset.done $0x0  }
0x81: {  	s20 =	rddreg [dreg:$0x6];
	[sflag:s22] =	ssyncadd.s32 $0xFFFF8000  }
0x82: {  	[hbm4b:s20+s29] =	stream.linear.scatter [tilespmem:s0], [sflag:$0x4], $0x8000, $0x38;
	[tilespmem:$0x18400] =	vst v63  }
0x83: {  	v3 =	vld [tilespmem:$0x40];
	_ =	sdelay $0x4  }
0x84: {  	v62 =	vshll.u32 v3, $0x3  }
0x85: {  	v3 =	vand.u32 $0x7, v3;
	v4 =	vand.u32 $0xFFFFFFC0, v62  }
0x86: {  	v3 =	vor.u32 v3, v4  }
0x87: {  	v4 =	vperm.xlane v3, v0;
	_ =	sdelay $0x1  }
0x88: {  	v4 =	vadd.s32 v1, v4;
	_ =	sdelay $0x3  }
0x89: {  	s15 =	simm.s32 $0x10400  }
0x8a: {  	[tilespmem:s15], [sflag:$0x3] =	stream.indirect_vreg.gather [hbm4b:s2+s29], $0x80, v4, vm0, $0xb8;
	[tilespmem:$0x18400] =	vst v63  }
0x8b: {  	s21 =	simm.s32 $0x10C00;
	v3 =	vperm.xlane v3, v2  }
0x8c: {  	[tilespmem:s21], [sflag:$0x3] =	stream.indirect_vreg.gather [hbm4b:s5+s29], $0x80, v4, vm0, $0xb8;
	[tilespmem:$0x18400] =	vst v63  }
0x8d: {  	s23 =	simm.s32 $0x11400;
	v3 =	vadd.s32 v1, v3  }
0x8e: {  	[tilespmem:s23], [sflag:$0x3] =	stream.indirect_vreg.gather [hbm4b:s6+s29], $0x80, v4, vm0, $0xb8;
	[tilespmem:$0x18400] =	vst v63  }
0x8f: {  	s24 =	simm.s32 $0x11C00  }
0x90: {  	[tilespmem:s24], [sflag:$0x3] =	stream.indirect_vreg.gather [hbm4b:s7+s29], $0x80, v4, vm0, $0xb8;
	[tilespmem:$0x18400] =	vst v63  }
0x91: {  	s25 =	simm.s32 $0x12400  }
0x92: {  	[tilespmem:s25], [sflag:$0x3] =	stream.indirect_vreg.gather [hbm4b:s2+s29], $0x80, v3, vm0, $0xb8;
	[tilespmem:$0x18400] =	vst v63  }
0x93: {  	s30 =	simm.s32 $0x12C00  }
0x94: {  	[tilespmem:s30], [sflag:$0x3] =	stream.indirect_vreg.gather [hbm4b:s5+s29], $0x80, v3, vm0, $0xb8;
	[tilespmem:$0x18400] =	vst v63  }
0x95: {  	s21 =	simm.s32 $0x13400  }
0x96: {  	[tilespmem:s21], [sflag:$0x3] =	stream.indirect_vreg.gather [hbm4b:s6+s29], $0x80, v3, vm0, $0xb8;
	[tilespmem:$0x18400] =	vst v63  }
0x97: {  	s12 =	simm.s32 $0x13C00  }
0x98: {  	[tilespmem:s12], [sflag:$0x3] =	stream.indirect_vreg.gather [hbm4b:s7+s29], $0x80, v3, vm0, $0xb8;
	[tilespmem:$0x18400] =	vst v63  }
0x99: {  	v3 =	vld [tilespmem:$0x50];
	_ =	sdelay $0x4  }
0x9a: {  	v63 =	vshll.u32 v3, $0x3  }
0x9b: {  	v3 =	vand.u32 $0x7, v3;
	v4 =	vand.u32 $0xFFFFFFC0, v63  }
0x9c: {  	v3 =	vor.u32 v3, v4  }
0x9d: {  	v4 =	vperm.xlane v3, v0;
	_ =	sdelay $0x1  }
0x9e: {  	v4 =	vadd.s32 v1, v4;
	_ =	sdelay $0x3  }
0x9f: {  	s25 =	simm.s32 $0x14400  }
0xa0: {  	[tilespmem:s25], [sflag:$0x3] =	stream.indirect_vreg.gather [hbm4b:s2+s29], $0x80, v4, vm0, $0xb8;
	[tilespmem:$0x18400] =	vst v63  }
0xa1: {  	s11 =	simm.s32 $0x14C00;
	v3 =	vperm.xlane v3, v2  }
0xa2: {  	[tilespmem:s11], [sflag:$0x3] =	stream.indirect_vreg.gather [hbm4b:s5+s29], $0x80, v4, vm0, $0xb8;
	[tilespmem:$0x18400] =	vst v63  }
0xa3: {  	s24 =	simm.s32 $0x15400;
	v3 =	vadd.s32 v1, v3  }
0xa4: {  	[tilespmem:s24], [sflag:$0x3] =	stream.indirect_vreg.gather [hbm4b:s6+s29], $0x80, v4, vm0, $0xb8;
	[tilespmem:$0x18400] =	vst v63  }
0xa5: {  	s9 =	simm.s32 $0x15C00  }
0xa6: {  	[tilespmem:s9], [sflag:$0x3] =	stream.indirect_vreg.gather [hbm4b:s7+s29], $0x80, v4, vm0, $0xb8;
	[tilespmem:$0x18400] =	vst v63  }
0xa7: {  	s20 =	simm.s32 $0x16400  }
0xa8: {  	[tilespmem:s20], [sflag:$0x3] =	stream.indirect_vreg.gather [hbm4b:s2+s29], $0x80, v3, vm0, $0xb8;
	[tilespmem:$0x18400] =	vst v63  }
0xa9: {  	s1 =	simm.s32 $0x1C00;
	s31 =	simm.s32 $0xC00;
	s10 =	simm.s32 $0x16C00  }
0xaa: {  	[tilespmem:s10], [sflag:$0x3] =	stream.indirect_vreg.gather [hbm4b:s5+s29], $0x80, v3, vm0, $0xb8;
	[tilespmem:$0x18400] =	vst v63  }
0xab: {  	s4 =	simm.s32 $0x17400;
	s16 =	simm.s32 $0xB0;
	s18 =	simm.s32 $0x1400  }
0xac: {  	[tilespmem:s4], [sflag:$0x3] =	stream.indirect_vreg.gather [hbm4b:s6+s29], $0x80, v3, vm0, $0xb8;
	[tilespmem:$0x18400] =	vst v63  }
0xad: {  	s19 =	simm.s32 $0x17C00;
	s0 =	simm.s32 $0x400;
	s23 =	simm.s32 $0x8400  }
0xae: {  	[tilespmem:s19], [sflag:$0x3] =	stream.indirect_vreg.gather [hbm4b:s7+s29], $0x80, v3, vm0, $0xb8;
	[tilespmem:$0x18400] =	vst v63  }
.LBB2_4:
0xaf: {  	_ =	swait.ge [sflag:s13], $0x8000  }
0xb0: {  	s30 =	rddreg [dreg:$0x4]  }
0xb1: {  	[sflag:s13] =	ssyncset.done $0x0;
	s30 =	sadd.s32 s29, s30  }
0xb2: {  	[sflag:s13] =	ssyncadd.s32 $0xFFFF8000;
	s17 =	sadd.s32 $0x1000, s30  }
0xb3: {  	[hbm4b:s17+s3] =	stream.linear.scatter [tilespmem:s23], [sflag:$0x5], $0x8000, $0x38;
	[tilespmem:$0x18400] =	vst v63  }
0xb4: {  	_ =	swait.ge [sflag:s26], $0x8000  }
0xb5: {  	[sflag:s26] =	ssyncset.done $0x0  }
0xb6: {  	[sflag:s26] =	ssyncadd.s32 $0xFFFF8000  }
0xb7: {  	v3 =	vld [tilespmem:s16+$0xFFFFFFB0];
	_ =	sdelay $0x4  }
0xb8: {  	v4 =	vshll.u32 v3, $0x3  }
0xb9: {  	v3 =	vand.u32 $0x7, v3;
	v4 =	vand.u32 $0xFFFFFFC0, v4  }
0xba: {  	v3 =	vor.u32 v3, v4  }
0xbb: {  	v4 =	vperm.xlane v3, v0;
	_ =	sdelay $0x1  }
0xbc: {  	v4 =	vadd.s32 v1, v4;
	_ =	sdelay $0x4  }
0xbd: {  	[tilespmem:s0], [sflag:$0x1] =	stream.indirect_vreg.gather [hbm4b:s2+s3], $0x80, v4, vm0, $0xb8;
	[tilespmem:$0x18400] =	vst v63  }
0xbe: {  	v3 =	vperm.xlane v3, v2  }
0xbf: {  	[tilespmem:s31], [sflag:$0x1] =	stream.indirect_vreg.gather [hbm4b:s5+s3], $0x80, v4, vm0, $0xb8;
	[tilespmem:$0x18400] =	vst v63  }
0xc0: {  	v3 =	vadd.s32 v1, v3  }
0xc1: {  	[tilespmem:s18], [sflag:$0x1] =	stream.indirect_vreg.gather [hbm4b:s6+s3], $0x80, v4, vm0, $0xb8;
	[tilespmem:$0x18400] =	vst v63  }
0xc2: {  	_ = 	snop  }
0xc3: {  	[tilespmem:s1], [sflag:$0x1] =	stream.indirect_vreg.gather [hbm4b:s7+s3], $0x80, v4, vm0, $0xb8;
	[tilespmem:$0x18400] =	vst v63  }
0xc4: {  	s17 =	simm.s32 $0x2400  }
0xc5: {  	[tilespmem:s17], [sflag:$0x1] =	stream.indirect_vreg.gather [hbm4b:s2+s3], $0x80, v3, vm0, $0xb8;
	[tilespmem:$0x18400] =	vst v63  }
0xc6: {  	s17 =	simm.s32 $0x2C00  }
0xc7: {  	[tilespmem:s17], [sflag:$0x1] =	stream.indirect_vreg.gather [hbm4b:s5+s3], $0x80, v3, vm0, $0xb8;
	[tilespmem:$0x18400] =	vst v63  }
0xc8: {  	s17 =	simm.s32 $0x3400  }
0xc9: {  	[tilespmem:s17], [sflag:$0x1] =	stream.indirect_vreg.gather [hbm4b:s6+s3], $0x80, v3, vm0, $0xb8;
	[tilespmem:$0x18400] =	vst v63  }
0xca: {  	s17 =	simm.s32 $0x3C00  }
0xcb: {  	[tilespmem:s17], [sflag:$0x1] =	stream.indirect_vreg.gather [hbm4b:s7+s3], $0x80, v3, vm0, $0xb8;
	[tilespmem:$0x18400] =	vst v63  }
0xcc: {  	v3 =	vld [tilespmem:s16+$0xFFFFFFC0];
	_ =	sdelay $0x4  }
0xcd: {  	v59 =	vshll.u32 v3, $0x3  }
0xce: {  	v3 =	vand.u32 $0x7, v3;
	v4 =	vand.u32 $0xFFFFFFC0, v59  }
0xcf: {  	v3 =	vor.u32 v3, v4  }
0xd0: {  	v4 =	vperm.xlane v3, v0;
	_ =	sdelay $0x1  }
0xd1: {  	v4 =	vadd.s32 v1, v4;
	_ =	sdelay $0x3  }
0xd2: {  	s17 =	simm.s32 $0x4400  }
0xd3: {  	[tilespmem:s17], [sflag:$0x1] =	stream.indirect_vreg.gather [hbm4b:s2+s3], $0x80, v4, vm0, $0xb8;
	[tilespmem:$0x18400] =	vst v63  }
0xd4: {  	v3 =	vperm.xlane v3, v2;
	s17 =	simm.s32 $0x4C00  }
0xd5: {  	[tilespmem:s17], [sflag:$0x1] =	stream.indirect_vreg.gather [hbm4b:s5+s3], $0x80, v4, vm0, $0xb8;
	[tilespmem:$0x18400] =	vst v63  }
0xd6: {  	v3 =	vadd.s32 v1, v3;
	s17 =	simm.s32 $0x5400  }
0xd7: {  	[tilespmem:s17], [sflag:$0x1] =	stream.indirect_vreg.gather [hbm4b:s6+s3], $0x80, v4, vm0, $0xb8;
	[tilespmem:$0x18400] =	vst v63  }
0xd8: {  	s17 =	simm.s32 $0x5C00  }
0xd9: {  	[tilespmem:s17], [sflag:$0x1] =	stream.indirect_vreg.gather [hbm4b:s7+s3], $0x80, v4, vm0, $0xb8;
	[tilespmem:$0x18400] =	vst v63  }
0xda: {  	s17 =	simm.s32 $0x6400  }
0xdb: {  	[tilespmem:s17], [sflag:$0x1] =	stream.indirect_vreg.gather [hbm4b:s2+s3], $0x80, v3, vm0, $0xb8;
	[tilespmem:$0x18400] =	vst v63  }
0xdc: {  	s17 =	simm.s32 $0x6C00  }
0xdd: {  	[tilespmem:s17], [sflag:$0x1] =	stream.indirect_vreg.gather [hbm4b:s5+s3], $0x80, v3, vm0, $0xb8;
	[tilespmem:$0x18400] =	vst v63  }
0xde: {  	s17 =	simm.s32 $0x7400  }
0xdf: {  	[tilespmem:s17], [sflag:$0x1] =	stream.indirect_vreg.gather [hbm4b:s6+s3], $0x80, v3, vm0, $0xb8;
	[tilespmem:$0x18400] =	vst v63  }
0xe0: {  	s17 =	simm.s32 $0x7C00  }
0xe1: {  	[tilespmem:s17], [sflag:$0x1] =	stream.indirect_vreg.gather [hbm4b:s7+s3], $0x80, v3, vm0, $0xb8;
	[tilespmem:$0x18400] =	vst v63  }
0xe2: {  	_ =	swait.ge [sflag:s8], $0x8000  }
0xe3: {  	[sflag:s8] =	ssyncset.done $0x0  }
0xe4: {  	s17 =	sadd.s32 $0x2000, s30;
	[sflag:s8] =	ssyncadd.s32 $0xFFFF8000  }
0xe5: {  	[hbm4b:s17+s3] =	stream.linear.scatter [tilespmem:s15], [sflag:$0x6], $0x8000, $0x38;
	[tilespmem:$0x18400] =	vst v63  }
0xe6: {  	_ =	swait.ge [sflag:s28], $0x8000  }
0xe7: {  	[sflag:s28] =	ssyncset.done $0x0  }
0xe8: {  	[sflag:s28] =	ssyncadd.s32 $0xFFFF8000  }
0xe9: {  	v3 =	vld [tilespmem:s16+$0xFFFFFFD0];
	_ =	sdelay $0x4  }
0xea: {  	v60 =	vshll.u32 v3, $0x3  }
0xeb: {  	v3 =	vand.u32 $0x7, v3;
	v4 =	vand.u32 $0xFFFFFFC0, v60  }
0xec: {  	v3 =	vor.u32 v3, v4  }
0xed: {  	v4 =	vperm.xlane v3, v0;
	_ =	sdelay $0x1  }
0xee: {  	v4 =	vadd.s32 v1, v4;
	_ =	sdelay $0x4  }
0xef: {  	[tilespmem:s23], [sflag:$0x2] =	stream.indirect_vreg.gather [hbm4b:s2+s3], $0x80, v4, vm0, $0xb8;
	[tilespmem:$0x18400] =	vst v63  }
0xf0: {  	s17 =	simm.s32 $0x8C00;
	v3 =	vperm.xlane v3, v2  }
0xf1: {  	[tilespmem:s17], [sflag:$0x2] =	stream.indirect_vreg.gather [hbm4b:s5+s3], $0x80, v4, vm0, $0xb8;
	[tilespmem:$0x18400] =	vst v63  }
0xf2: {  	v3 =	vadd.s32 v1, v3;
	s17 =	simm.s32 $0x9400  }
0xf3: {  	[tilespmem:s17], [sflag:$0x2] =	stream.indirect_vreg.gather [hbm4b:s6+s3], $0x80, v4, vm0, $0xb8;
	[tilespmem:$0x18400] =	vst v63  }
0xf4: {  	s17 =	simm.s32 $0x9C00  }
0xf5: {  	[tilespmem:s17], [sflag:$0x2] =	stream.indirect_vreg.gather [hbm4b:s7+s3], $0x80, v4, vm0, $0xb8;
	[tilespmem:$0x18400] =	vst v63  }
0xf6: {  	s17 =	simm.s32 $0xA400  }
0xf7: {  	[tilespmem:s17], [sflag:$0x2] =	stream.indirect_vreg.gather [hbm4b:s2+s3], $0x80, v3, vm0, $0xb8;
	[tilespmem:$0x18400] =	vst v63  }
0xf8: {  	s17 =	simm.s32 $0xAC00  }
0xf9: {  	[tilespmem:s17], [sflag:$0x2] =	stream.indirect_vreg.gather [hbm4b:s5+s3], $0x80, v3, vm0, $0xb8;
	[tilespmem:$0x18400] =	vst v63  }
0xfa: {  	s17 =	simm.s32 $0xB400  }
0xfb: {  	[tilespmem:s17], [sflag:$0x2] =	stream.indirect_vreg.gather [hbm4b:s6+s3], $0x80, v3, vm0, $0xb8;
	[tilespmem:$0x18400] =	vst v63  }
0xfc: {  	s17 =	simm.s32 $0xBC00  }
0xfd: {  	[tilespmem:s17], [sflag:$0x2] =	stream.indirect_vreg.gather [hbm4b:s7+s3], $0x80, v3, vm0, $0xb8;
	[tilespmem:$0x18400] =	vst v63  }
0xfe: {  	v3 =	vld [tilespmem:s16+$0xFFFFFFE0];
	_ =	sdelay $0x4  }
0xff: {  	v61 =	vshll.u32 v3, $0x3  }
0x100: {  	v3 =	vand.u32 $0x7, v3;
	v4 =	vand.u32 $0xFFFFFFC0, v61  }
0x101: {  	v3 =	vor.u32 v3, v4  }
0x102: {  	v4 =	vperm.xlane v3, v0;
	_ =	sdelay $0x1  }
0x103: {  	v4 =	vadd.s32 v1, v4;
	_ =	sdelay $0x3  }
0x104: {  	s17 =	simm.s32 $0xC400  }
0x105: {  	[tilespmem:s17], [sflag:$0x2] =	stream.indirect_vreg.gather [hbm4b:s2+s3], $0x80, v4, vm0, $0xb8;
	[tilespmem:$0x18400] =	vst v63  }
0x106: {  	v3 =	vperm.xlane v3, v2;
	s17 =	simm.s32 $0xCC00  }
0x107: {  	[tilespmem:s17], [sflag:$0x2] =	stream.indirect_vreg.gather [hbm4b:s5+s3], $0x80, v4, vm0, $0xb8;
	[tilespmem:$0x18400] =	vst v63  }
0x108: {  	v3 =	vadd.s32 v1, v3;
	s17 =	simm.s32 $0xD400  }
0x109: {  	[tilespmem:s17], [sflag:$0x2] =	stream.indirect_vreg.gather [hbm4b:s6+s3], $0x80, v4, vm0, $0xb8;
	[tilespmem:$0x18400] =	vst v63  }
0x10a: {  	s17 =	simm.s32 $0xDC00  }
0x10b: {  	[tilespmem:s17], [sflag:$0x2] =	stream.indirect_vreg.gather [hbm4b:s7+s3], $0x80, v4, vm0, $0xb8;
	[tilespmem:$0x18400] =	vst v63  }
0x10c: {  	s17 =	simm.s32 $0xE400  }
0x10d: {  	[tilespmem:s17], [sflag:$0x2] =	stream.indirect_vreg.gather [hbm4b:s2+s3], $0x80, v3, vm0, $0xb8;
	[tilespmem:$0x18400] =	vst v63  }
0x10e: {  	s17 =	simm.s32 $0xEC00  }
0x10f: {  	[tilespmem:s17], [sflag:$0x2] =	stream.indirect_vreg.gather [hbm4b:s5+s3], $0x80, v3, vm0, $0xb8;
	[tilespmem:$0x18400] =	vst v63  }
0x110: {  	s17 =	simm.s32 $0xF400  }
0x111: {  	[tilespmem:s17], [sflag:$0x2] =	stream.indirect_vreg.gather [hbm4b:s6+s3], $0x80, v3, vm0, $0xb8;
	[tilespmem:$0x18400] =	vst v63  }
0x112: {  	s17 =	simm.s32 $0xFC00  }
0x113: {  	[tilespmem:s17], [sflag:$0x2] =	stream.indirect_vreg.gather [hbm4b:s7+s3], $0x80, v3, vm0, $0xb8;
	[tilespmem:$0x18400] =	vst v63  }
0x114: {  	_ =	swait.ge [sflag:s22], $0x8000  }
0x115: {  	[sflag:s22] =	ssyncset.done $0x0  }
0x116: {  	s30 =	sadd.s32 $0x3000, s30;
	[sflag:s22] =	ssyncadd.s32 $0xFFFF8000  }
0x117: {  	[hbm4b:s30+s3] =	stream.linear.scatter [tilespmem:s0], [sflag:$0x4], $0x8000, $0x38;
	[tilespmem:$0x18400] =	vst v63  }
0x118: {  	_ =	swait.ge [sflag:s14], $0x8000  }
0x119: {  	[sflag:s14] =	ssyncset.done $0x0  }
0x11a: {  	[sflag:s14] =	ssyncadd.s32 $0xFFFF8000  }
0x11b: {  	v3 =	vld [tilespmem:s16+$0xFFFFFFF0];
	_ =	sdelay $0x4  }
0x11c: {  	v62 =	vshll.u32 v3, $0x3  }
0x11d: {  	v3 =	vand.u32 $0x7, v3;
	v4 =	vand.u32 $0xFFFFFFC0, v62  }
0x11e: {  	v3 =	vor.u32 v3, v4  }
0x11f: {  	v4 =	vperm.xlane v3, v0;
	_ =	sdelay $0x1  }
0x120: {  	v4 =	vadd.s32 v1, v4;
	_ =	sdelay $0x4  }
0x121: {  	[tilespmem:s15], [sflag:$0x3] =	stream.indirect_vreg.gather [hbm4b:s2+s3], $0x80, v4, vm0, $0xb8;
	[tilespmem:$0x18400] =	vst v63  }
0x122: {  	s30 =	simm.s32 $0x10C00;
	v3 =	vperm.xlane v3, v2  }
0x123: {  	[tilespmem:s30], [sflag:$0x3] =	stream.indirect_vreg.gather [hbm4b:s5+s3], $0x80, v4, vm0, $0xb8;
	[tilespmem:$0x18400] =	vst v63  }
0x124: {  	v3 =	vadd.s32 v1, v3;
	s30 =	simm.s32 $0x11400  }
0x125: {  	[tilespmem:s30], [sflag:$0x3] =	stream.indirect_vreg.gather [hbm4b:s6+s3], $0x80, v4, vm0, $0xb8;
	[tilespmem:$0x18400] =	vst v63  }
0x126: {  	s30 =	simm.s32 $0x11C00  }
0x127: {  	[tilespmem:s30], [sflag:$0x3] =	stream.indirect_vreg.gather [hbm4b:s7+s3], $0x80, v4, vm0, $0xb8;
	[tilespmem:$0x18400] =	vst v63  }
0x128: {  	s30 =	simm.s32 $0x12400  }
0x129: {  	[tilespmem:s30], [sflag:$0x3] =	stream.indirect_vreg.gather [hbm4b:s2+s3], $0x80, v3, vm0, $0xb8;
	[tilespmem:$0x18400] =	vst v63  }
0x12a: {  	s30 =	simm.s32 $0x12C00  }
0x12b: {  	[tilespmem:s30], [sflag:$0x3] =	stream.indirect_vreg.gather [hbm4b:s5+s3], $0x80, v3, vm0, $0xb8;
	[tilespmem:$0x18400] =	vst v63  }
0x12c: {  	_ = 	snop  }
0x12d: {  	[tilespmem:s21], [sflag:$0x3] =	stream.indirect_vreg.gather [hbm4b:s6+s3], $0x80, v3, vm0, $0xb8;
	[tilespmem:$0x18400] =	vst v63  }
0x12e: {  	_ = 	snop  }
0x12f: {  	[tilespmem:s12], [sflag:$0x3] =	stream.indirect_vreg.gather [hbm4b:s7+s3], $0x80, v3, vm0, $0xb8;
	[tilespmem:$0x18400] =	vst v63  }
0x130: {  	v3 =	vld [tilespmem:s16+$0x0];
	_ =	sdelay $0x4  }
0x131: {  	v63 =	vshll.u32 v3, $0x3  }
0x132: {  	v3 =	vand.u32 $0x7, v3;
	v4 =	vand.u32 $0xFFFFFFC0, v63  }
0x133: {  	v3 =	vor.u32 v3, v4  }
0x134: {  	v4 =	vperm.xlane v3, v0;
	_ =	sdelay $0x1  }
0x135: {  	v4 =	vadd.s32 v1, v4;
	_ =	sdelay $0x4  }
0x136: {  	[tilespmem:s25], [sflag:$0x3] =	stream.indirect_vreg.gather [hbm4b:s2+s3], $0x80, v4, vm0, $0xb8;
	[tilespmem:$0x18400] =	vst v63  }
0x137: {  	v3 =	vperm.xlane v3, v2  }
0x138: {  	[tilespmem:s11], [sflag:$0x3] =	stream.indirect_vreg.gather [hbm4b:s5+s3], $0x80, v4, vm0, $0xb8;
	[tilespmem:$0x18400] =	vst v63  }
0x139: {  	v3 =	vadd.s32 v1, v3  }
0x13a: {  	[tilespmem:s24], [sflag:$0x3] =	stream.indirect_vreg.gather [hbm4b:s6+s3], $0x80, v4, vm0, $0xb8;
	[tilespmem:$0x18400] =	vst v63  }
0x13b: {  	_ = 	snop  }
0x13c: {  	[tilespmem:s9], [sflag:$0x3] =	stream.indirect_vreg.gather [hbm4b:s7+s3], $0x80, v4, vm0, $0xb8;
	[tilespmem:$0x18400] =	vst v63  }
0x13d: {  	_ = 	snop  }
0x13e: {  	[tilespmem:s20], [sflag:$0x3] =	stream.indirect_vreg.gather [hbm4b:s2+s3], $0x80, v3, vm0, $0xb8;
	[tilespmem:$0x18400] =	vst v63  }
0x13f: {  	p0 =	sne.s32 s29, $0x18000  }
0x140: {  	[tilespmem:s10], [sflag:$0x3] =	stream.indirect_vreg.gather [hbm4b:s5+s3], $0x80, v3, vm0, $0xb8;
	[tilespmem:$0x18400] =	vst v63  }
.Ltmp1:
0x141: {  	_ = 	snop;
	(pc) =	sbr.rel @p0 .LBB2_4-.Ltmp1, $4  }
0x142: {  	_ = 	snop  }
0x143: {  	[tilespmem:s4], [sflag:$0x3] =	stream.indirect_vreg.gather [hbm4b:s6+s3], $0x80, v3, vm0, $0xb8;
	[tilespmem:$0x18400] =	vst v63  }
0x144: {  	s29 =	sadd.s32 $0x3000, s29;
	s16 =	sadd.s32 $0x60, s16  }
0x145: {  	[tilespmem:s19], [sflag:$0x3] =	stream.indirect_vreg.gather [hbm4b:s7+s3], $0x80, v3, vm0, $0xb8;
	[tilespmem:$0x18400] =	vst v63  }
0x146: {  	_ =	swait.ge [sflag:s13], $0x8000  }
0x147: {  	[sflag:s13] =	ssyncset.done $0x0  }
0x148: {  	s16 =	rddreg [dreg:$0x7];
	[sflag:s13] =	ssyncadd.s32 $0xFFFF8000  }
0x149: {  	[hbm4b:s16+s3] =	stream.linear.scatter [tilespmem:s23], [sflag:$0x5], $0x8000, $0x38;
	[tilespmem:$0x18400] =	vst v63  }
0x14a: {  	_ =	swait.ge [sflag:s26], $0x8000  }
0x14b: {  	[sflag:s26] =	ssyncset.done $0x0  }
0x14c: {  	[sflag:s26] =	ssyncadd.s32 $0xFFFF8000  }
0x14d: {  	v3 =	vld [tilespmem:$0x3C0];
	_ =	sdelay $0x4  }
0x14e: {  	v4 =	vshll.u32 v3, $0x3  }
0x14f: {  	v3 =	vand.u32 $0x7, v3;
	v4 =	vand.u32 $0xFFFFFFC0, v4  }
0x150: {  	v3 =	vor.u32 v3, v4  }
0x151: {  	v4 =	vperm.xlane v3, v0;
	_ =	sdelay $0x1  }
0x152: {  	v4 =	vadd.s32 v1, v4;
	_ =	sdelay $0x4  }
0x153: {  	[tilespmem:s0], [sflag:$0x1] =	stream.indirect_vreg.gather [hbm4b:s2+s3], $0x80, v4, vm0, $0xb8;
	[tilespmem:$0x18400] =	vst v63  }
0x154: {  	v3 =	vperm.xlane v3, v2  }
0x155: {  	[tilespmem:s31], [sflag:$0x1] =	stream.indirect_vreg.gather [hbm4b:s5+s3], $0x80, v4, vm0, $0xb8;
	[tilespmem:$0x18400] =	vst v63  }
0x156: {  	v3 =	vadd.s32 v1, v3  }
0x157: {  	[tilespmem:s18], [sflag:$0x1] =	stream.indirect_vreg.gather [hbm4b:s6+s3], $0x80, v4, vm0, $0xb8;
	[tilespmem:$0x18400] =	vst v63  }
0x158: {  	_ = 	snop  }
0x159: {  	[tilespmem:s1], [sflag:$0x1] =	stream.indirect_vreg.gather [hbm4b:s7+s3], $0x80, v4, vm0, $0xb8;
	[tilespmem:$0x18400] =	vst v63  }
0x15a: {  	s20 =	simm.s32 $0x2400  }
0x15b: {  	[tilespmem:s20], [sflag:$0x1] =	stream.indirect_vreg.gather [hbm4b:s2+s3], $0x80, v3, vm0, $0xb8;
	[tilespmem:$0x18400] =	vst v63  }
0x15c: {  	s21 =	simm.s32 $0x2C00  }
0x15d: {  	[tilespmem:s21], [sflag:$0x1] =	stream.indirect_vreg.gather [hbm4b:s5+s3], $0x80, v3, vm0, $0xb8;
	[tilespmem:$0x18400] =	vst v63  }
0x15e: {  	s24 =	simm.s32 $0x3400  }
0x15f: {  	[tilespmem:s24], [sflag:$0x1] =	stream.indirect_vreg.gather [hbm4b:s6+s3], $0x80, v3, vm0, $0xb8;
	[tilespmem:$0x18400] =	vst v63  }
0x160: {  	s25 =	simm.s32 $0x3C00  }
0x161: {  	[tilespmem:s25], [sflag:$0x1] =	stream.indirect_vreg.gather [hbm4b:s7+s3], $0x80, v3, vm0, $0xb8;
	[tilespmem:$0x18400] =	vst v63  }
0x162: {  	v3 =	vld [tilespmem:$0x3D0];
	_ =	sdelay $0x4  }
0x163: {  	v61 =	vshll.u32 v3, $0x3  }
0x164: {  	v3 =	vand.u32 $0x7, v3;
	v4 =	vand.u32 $0xFFFFFFC0, v61  }
0x165: {  	v3 =	vor.u32 v3, v4  }
0x166: {  	v4 =	vperm.xlane v3, v0;
	_ =	sdelay $0x1  }
0x167: {  	v4 =	vadd.s32 v1, v4;
	_ =	sdelay $0x3  }
0x168: {  	s4 =	simm.s32 $0x4400  }
0x169: {  	[tilespmem:s4], [sflag:$0x1] =	stream.indirect_vreg.gather [hbm4b:s2+s3], $0x80, v4, vm0, $0xb8;
	[tilespmem:$0x18400] =	vst v63  }
0x16a: {  	s9 =	simm.s32 $0x4C00;
	v3 =	vperm.xlane v3, v2  }
0x16b: {  	[tilespmem:s9], [sflag:$0x1] =	stream.indirect_vreg.gather [hbm4b:s5+s3], $0x80, v4, vm0, $0xb8;
	[tilespmem:$0x18400] =	vst v63  }
0x16c: {  	s10 =	simm.s32 $0x5400;
	v3 =	vadd.s32 v1, v3  }
0x16d: {  	[tilespmem:s10], [sflag:$0x1] =	stream.indirect_vreg.gather [hbm4b:s6+s3], $0x80, v4, vm0, $0xb8;
	[tilespmem:$0x18400] =	vst v63  }
0x16e: {  	s11 =	simm.s32 $0x5C00  }
0x16f: {  	[tilespmem:s11], [sflag:$0x1] =	stream.indirect_vreg.gather [hbm4b:s7+s3], $0x80, v4, vm0, $0xb8;
	[tilespmem:$0x18400] =	vst v63  }
0x170: {  	s12 =	simm.s32 $0x6400  }
0x171: {  	[tilespmem:s12], [sflag:$0x1] =	stream.indirect_vreg.gather [hbm4b:s2+s3], $0x80, v3, vm0, $0xb8;
	[tilespmem:$0x18400] =	vst v63  }
0x172: {  	s16 =	simm.s32 $0x6C00  }
0x173: {  	[tilespmem:s16], [sflag:$0x1] =	stream.indirect_vreg.gather [hbm4b:s5+s3], $0x80, v3, vm0, $0xb8;
	[tilespmem:$0x18400] =	vst v63  }
0x174: {  	s17 =	simm.s32 $0x7400  }
0x175: {  	[tilespmem:s17], [sflag:$0x1] =	stream.indirect_vreg.gather [hbm4b:s6+s3], $0x80, v3, vm0, $0xb8;
	[tilespmem:$0x18400] =	vst v63  }
0x176: {  	s18 =	simm.s32 $0x7C00  }
0x177: {  	[tilespmem:s18], [sflag:$0x1] =	stream.indirect_vreg.gather [hbm4b:s7+s3], $0x80, v3, vm0, $0xb8;
	[tilespmem:$0x18400] =	vst v63  }
0x178: {  	_ =	swait.ge [sflag:s8], $0x8000  }
0x179: {  	[sflag:s8] =	ssyncset.done $0x0  }
0x17a: {  	s19 =	rddreg [dreg:$0x8];
	[sflag:s8] =	ssyncadd.s32 $0xFFFF8000  }
0x17b: {  	[hbm4b:s19+s3] =	stream.linear.scatter [tilespmem:s15], [sflag:$0x6], $0x8000, $0x38;
	[tilespmem:$0x18400] =	vst v63  }
0x17c: {  	_ =	swait.ge [sflag:s28], $0x8000  }
0x17d: {  	[sflag:s28] =	ssyncset.done $0x0  }
0x17e: {  	[sflag:s28] =	ssyncadd.s32 $0xFFFF8000  }
0x17f: {  	v3 =	vld [tilespmem:$0x3E0];
	_ =	sdelay $0x4  }
0x180: {  	v62 =	vshll.u32 v3, $0x3  }
0x181: {  	v3 =	vand.u32 $0x7, v3;
	v4 =	vand.u32 $0xFFFFFFC0, v62  }
0x182: {  	v3 =	vor.u32 v3, v4  }
0x183: {  	v4 =	vperm.xlane v3, v0;
	_ =	sdelay $0x1  }
0x184: {  	v4 =	vadd.s32 v1, v4;
	_ =	sdelay $0x4  }
0x185: {  	[tilespmem:s23], [sflag:$0x2] =	stream.indirect_vreg.gather [hbm4b:s2+s3], $0x80, v4, vm0, $0xb8;
	[tilespmem:$0x18400] =	vst v63  }
0x186: {  	s20 =	simm.s32 $0x8C00;
	v3 =	vperm.xlane v3, v2  }
0x187: {  	[tilespmem:s20], [sflag:$0x2] =	stream.indirect_vreg.gather [hbm4b:s5+s3], $0x80, v4, vm0, $0xb8;
	[tilespmem:$0x18400] =	vst v63  }
0x188: {  	s21 =	simm.s32 $0x9400;
	v3 =	vadd.s32 v1, v3  }
0x189: {  	[tilespmem:s21], [sflag:$0x2] =	stream.indirect_vreg.gather [hbm4b:s6+s3], $0x80, v4, vm0, $0xb8;
	[tilespmem:$0x18400] =	vst v63  }
0x18a: {  	s24 =	simm.s32 $0x9C00  }
0x18b: {  	[tilespmem:s24], [sflag:$0x2] =	stream.indirect_vreg.gather [hbm4b:s7+s3], $0x80, v4, vm0, $0xb8;
	[tilespmem:$0x18400] =	vst v63  }
0x18c: {  	s25 =	simm.s32 $0xA400  }
0x18d: {  	[tilespmem:s25], [sflag:$0x2] =	stream.indirect_vreg.gather [hbm4b:s2+s3], $0x80, v3, vm0, $0xb8;
	[tilespmem:$0x18400] =	vst v63  }
0x18e: {  	s4 =	simm.s32 $0xAC00  }
0x18f: {  	[tilespmem:s4], [sflag:$0x2] =	stream.indirect_vreg.gather [hbm4b:s5+s3], $0x80, v3, vm0, $0xb8;
	[tilespmem:$0x18400] =	vst v63  }
0x190: {  	s9 =	simm.s32 $0xB400  }
0x191: {  	[tilespmem:s9], [sflag:$0x2] =	stream.indirect_vreg.gather [hbm4b:s6+s3], $0x80, v3, vm0, $0xb8;
	[tilespmem:$0x18400] =	vst v63  }
0x192: {  	s10 =	simm.s32 $0xBC00  }
0x193: {  	[tilespmem:s10], [sflag:$0x2] =	stream.indirect_vreg.gather [hbm4b:s7+s3], $0x80, v3, vm0, $0xb8;
	[tilespmem:$0x18400] =	vst v63  }
0x194: {  	v3 =	vld [tilespmem:$0x3F0];
	_ =	sdelay $0x4  }
0x195: {  	v63 =	vshll.u32 v3, $0x3  }
0x196: {  	v3 =	vand.u32 $0x7, v3;
	v4 =	vand.u32 $0xFFFFFFC0, v63  }
0x197: {  	v3 =	vor.u32 v3, v4  }
0x198: {  	v4 =	vperm.xlane v3, v0;
	_ =	sdelay $0x1  }
0x199: {  	v4 =	vadd.s32 v1, v4;
	_ =	sdelay $0x3  }
0x19a: {  	s11 =	simm.s32 $0xC400  }
0x19b: {  	[tilespmem:s11], [sflag:$0x2] =	stream.indirect_vreg.gather [hbm4b:s2+s3], $0x80, v4, vm0, $0xb8;
	[tilespmem:$0x18400] =	vst v63  }
0x19c: {  	s12 =	simm.s32 $0xCC00;
	v3 =	vperm.xlane v3, v2  }
0x19d: {  	[tilespmem:s12], [sflag:$0x2] =	stream.indirect_vreg.gather [hbm4b:s5+s3], $0x80, v4, vm0, $0xb8;
	[tilespmem:$0x18400] =	vst v63  }
0x19e: {  	s15 =	simm.s32 $0xD400;
	v3 =	vadd.s32 v1, v3  }
0x19f: {  	[tilespmem:s15], [sflag:$0x2] =	stream.indirect_vreg.gather [hbm4b:s6+s3], $0x80, v4, vm0, $0xb8;
	[tilespmem:$0x18400] =	vst v63  }
0x1a0: {  	s16 =	simm.s32 $0xDC00  }
0x1a1: {  	[tilespmem:s16], [sflag:$0x2] =	stream.indirect_vreg.gather [hbm4b:s7+s3], $0x80, v4, vm0, $0xb8;
	[tilespmem:$0x18400] =	vst v63  }
0x1a2: {  	s17 =	simm.s32 $0xE400  }
0x1a3: {  	[tilespmem:s17], [sflag:$0x2] =	stream.indirect_vreg.gather [hbm4b:s2+s3], $0x80, v3, vm0, $0xb8;
	[tilespmem:$0x18400] =	vst v63  }
0x1a4: {  	s18 =	simm.s32 $0xEC00  }
0x1a5: {  	[tilespmem:s18], [sflag:$0x2] =	stream.indirect_vreg.gather [hbm4b:s5+s3], $0x80, v3, vm0, $0xb8;
	[tilespmem:$0x18400] =	vst v63  }
0x1a6: {  	s19 =	simm.s32 $0xF400  }
0x1a7: {  	[tilespmem:s19], [sflag:$0x2] =	stream.indirect_vreg.gather [hbm4b:s6+s3], $0x80, v3, vm0, $0xb8;
	[tilespmem:$0x18400] =	vst v63  }
0x1a8: {  	s20 =	simm.s32 $0xFC00  }
0x1a9: {  	[tilespmem:s20], [sflag:$0x2] =	stream.indirect_vreg.gather [hbm4b:s7+s3], $0x80, v3, vm0, $0xb8;
	[tilespmem:$0x18400] =	vst v63  }
0x1aa: {  	_ =	swait.ge [sflag:s22], $0x8000  }
0x1ab: {  	[sflag:s22] =	ssyncset.done $0x0  }
0x1ac: {  	s21 =	rddreg [dreg:$0x9];
	[sflag:s22] =	ssyncadd.s32 $0xFFFF8000  }
0x1ad: {  	[hbm4b:s21+s3] =	stream.linear.scatter [tilespmem:s0], [sflag:$0x4], $0x8000, $0x38;
	[tilespmem:$0x18400] =	vst v63  }
0x1ae: {  	_ =	swait.ge [sflag:s13], $0x8000  }
0x1af: {  	[sflag:s13] =	ssyncset.done $0x0  }
0x1b0: {  	s24 =	rddreg [dreg:$0xa];
	[sflag:s13] =	ssyncadd.s32 $0xFFFF8000  }
0x1b1: {  	[hbm4b:s24+s3] =	stream.linear.scatter [tilespmem:s23], [sflag:$0x5], $0x8000, $0x38;
	[tilespmem:$0x18400] =	vst v63  }
0x1b2: {  	_ =	swait.ge [sflag:s14], $0x8000  }
0x1b3: {  	[sflag:s14] =	ssyncset.done $0x0  }
0x1b4: {  	[sflag:s14] =	ssyncadd.s32 $0xFFFF8000  }
0x1b5: {  	_ =	swait.ge [sflag:s26], $0x8000  }
0x1b6: {  	[sflag:s26] =	ssyncset.done $0x0  }
0x1b7: {  	[sflag:s26] =	ssyncadd.s32 $0xFFFF8000  }
0x1b8: {  	s30 =	simm.s32 $0x7C00;
	_ =	swait.ge [sflag:s28], $0x8000  }
0x1b9: {  	s31 =	simm.s32 $0x8C00;
	s1 =	simm.s32 $0x1C00;
	s29 =	rddreg [dreg:$0xc]  }
0x1ba: {  	s4 =	simm.s32 $0x2C00;
	s25 =	rddreg [dreg:$0xb];
	s29 =	sadd.s32 $0x1, s29  }
0x1bb: {  	s9 =	simm.s32 $0x3C00;
	s10 =	simm.s32 $0x4C00;
	p0 =	sne.s32 s29, s25  }
.Ltmp2:
0x1bc: {  	s11 =	simm.s32 $0x5C00;
	s12 =	simm.s32 $0x6C00;
	(pc) =	sbr.rel @p0 .LBB2_1-.Ltmp2, $4  }
0x1bd: {  	s15 =	simm.s32 $0x7400;
	s17 =	simm.s32 $0xC00;
	s18 =	simm.s32 $0x1400  }
0x1be: {  	s19 =	simm.s32 $0x2400;
	s20 =	simm.s32 $0x3400;
	s21 =	simm.s32 $0x4400  }
0x1bf: {  	s0 =	simm.s32 $0x400;
	s24 =	simm.s32 $0x5400;
	[sflag:s28] =	ssyncset.done $0x0  }
0x1c0: {  	s23 =	simm.s32 $0x8400;
	[sflag:s28] =	ssyncadd.s32 $0xFFFF8000;
	s25 =	simm.s32 $0x6400  }
0x1c1: {  	_ =	sfence.sel $0x180000  }
0x1c2: {  	[bflag:$0x0] =	sbarrier.arrive $0xFFFF  }
0x1c3: {  	_ =	strace $0x90000047  }
0x1c4: {  	s0 =	stileid.u32;
	[bflag:$0x2] =	sbarrier.arrive $0xFFFF  }
0x1c5: {  	p0 =	sne.s32 s0, $0x0;
	s0 =	rddreg [dreg:$0x3]  }
0x1c6: {  	s0 =	sadd.s32 @!p0 $0x100000, s0  }
0x1c7: {  	[sflag:s0] =	ssyncadd.tile.s32 @!p0 $0x1;
	_ =	shalt  }
.Lfunc_end2:
_tile_overlayer_lowered:
.L_overlay_start_2:
0x1c8: {  	(tag) =	ssettag $0x2  }
0x1c9: {  	s0 =	rddreg [dreg:$0x0];
	s2 =	stileid.u32  }
0x1ca: {  	s1 =	rddreg [dreg:$0x1];
	p0 =	sne.s32 s2, $0x0  }
0x1cb: {  	s3 =	rddreg [dreg:$0x2];
	[bflag:$0x3] =	sbarrier.arrive $0xFFFF;
	s2 =	simm.s32 @!p0 $0x1C07  }
0x1cc: {  	[timem:s3], [sflag:s2] =	dma.local @!p0 [hbm:s0], s1  }
0x1cd: {  	s0 =	simm.s32 @!p0 $0x7  }
0x1ce: {  	_ =	swait.ge @!p0 [sflag:s0], s1  }
0x1cf: {  	s1 =	ssub.s32 @!p0 $0x0, s1;
	[sflag:s0] =	ssyncset.done @!p0 $0x0  }
0x1d0: {  	[sflag:s0] =	ssyncadd.s32 @!p0 s1  }
0x1d1: {  	[bflag:$0x3] =	sbarrier.arrive $0xFFFF  }
0x1d2: {  	_ =	shalt  }

</sc_bundles>
